<compile_context>
chip_gen: v7x
topology: tpu7x:2x2x1
jax: 0.10.2.dev20260603
libtpu: 0.0.44.dev20260713+nightly
codegen_flags: <defaults>
</compile_context>

<pallas_src>
import functools

import jax
import jax.numpy as jnp
from jax import lax
from jax.experimental import pallas as pl
from jax.experimental.pallas import tpu as pltpu
from jax.experimental.pallas import tpu_sc as plsc

N = 10000
E = 320000
D = 128
G = 64

NC = 2
NS = 16
NW = NC * NS
CHUNK = 128
CPT_F = 111
CPT_S = 47
SLOW_CID = 1
TOTC = NS * (CPT_F + CPT_S)
E_PAD = TOTC * CHUNK
ROWS = N + 16
WR = 624
REM = N - NS * WR


def _sc_aggregate(h, src3, dst3):
    mesh = plsc.VectorSubcoreMesh(core_axis_name="c", subcore_axis_name="s")

    @functools.partial(
        pl.kernel,
        out_type=jax.ShapeDtypeStruct((NC, N, D), jnp.float32),
        mesh=mesh,
        scratch_types=[
            pltpu.VMEM((CPT_F, CHUNK), jnp.int32),
            pltpu.VMEM((CPT_F, CHUNK), jnp.int32),
            pltpu.VMEM((CHUNK, D), jnp.float32),
            pltpu.VMEM_SHARED((ROWS, D), jnp.float32),
            pltpu.SemaphoreType.DMA,
        ],
    )
    def agg_kernel(h_hbm, src_hbm, dst_hbm, out_hbm, src_v, dst_v,
                   rows_v, acc_sh, sem):
        cid = lax.axis_index("c")
        sid = lax.axis_index("s")

        pltpu.sync_copy(h_hbm.at[pl.ds(sid * WR, WR)],
                        acc_sh.at[pl.ds(sid * WR, WR)])

        @pl.when(sid == NS - 1)
        def _():
            pltpu.sync_copy(h_hbm.at[pl.ds(NS * WR, REM)],
                            acc_sh.at[pl.ds(NS * WR, REM)])

        plsc.subcore_barrier()

        wid = cid * NS + sid
        pltpu.sync_copy(src_hbm.at[wid], src_v)
        pltpu.sync_copy(dst_hbm.at[wid], dst_v)
        cpt = lax.select(cid == SLOW_CID, CPT_S, CPT_F)

        @pl.loop(0, cpt)
        def _(j):
            pltpu.async_copy(h_hbm.at[src_v.at[j]], rows_v, sem).wait()
            pltpu.sync_copy(rows_v, acc_sh.at[dst_v.at[j]], add=True)

        plsc.subcore_barrier()
        pltpu.sync_copy(acc_sh.at[pl.ds(sid * WR, WR)],
                        out_hbm.at[cid, pl.ds(sid * WR, WR)])

        @pl.when(sid == NS - 1)
        def _():
            pltpu.sync_copy(acc_sh.at[pl.ds(NS * WR, REM)],
                            out_hbm.at[cid, pl.ds(NS * WR, REM)])

    return agg_kernel(h, src3, dst3)


def _mlp_body(h_ref, a0_ref, a1_ref, w1_ref, b1_ref, w2_ref, b2_ref,
              scale_ref, beta_ref, epsm1_ref, out_ref):
    z = h_ref[...] * epsm1_ref[0, 0] + a0_ref[...] + a1_ref[...]
    z = jnp.dot(z, w1_ref[...], precision=lax.Precision.HIGHEST,
                preferred_element_type=jnp.float32) + b1_ref[...]
    z = jnp.maximum(z, 0.0)
    z = jnp.dot(z, w2_ref[...], precision=lax.Precision.HIGHEST,
                preferred_element_type=jnp.float32) + b2_ref[...]
    z = jnp.maximum(z, 0.0)
    out_ref[...] = z * scale_ref[...] + beta_ref[...]


def _tc_mlp(h, a0, a1, w1, b1, w2, b2, scale, beta, epsm1):
    nb = 10
    blk = N // nb
    row_spec = pl.BlockSpec((blk, D), lambda i: (i, 0))
    full = pl.BlockSpec((1, D), lambda i: (0, 0))
    wspec = pl.BlockSpec((D, D), lambda i: (0, 0))
    return pl.pallas_call(
        _mlp_body,
        grid=(nb,),
        in_specs=[row_spec, row_spec, row_spec, wspec, full, wspec, full,
                  full, full, pl.BlockSpec((1, 1), lambda i: (0, 0))],
        out_specs=row_spec,
        out_shape=jax.ShapeDtypeStruct((N, D), jnp.float32),
    )(h, a0, a1, w1, b1, w2, b2, scale, beta, epsm1)


def _head_body(h_ref, batch_ref, w1_ref, b1_ref, w2_ref, b2_ref, out_ref):
    gids = lax.broadcasted_iota(jnp.int32, (G, N), 0)
    mask = (gids == batch_ref[...]).astype(jnp.float32)
    sums = jnp.dot(mask, h_ref[...], precision=lax.Precision.HIGHEST,
                   preferred_element_type=jnp.float32)
    counts = jnp.sum(mask, axis=1, keepdims=True)
    pooled = sums / jnp.maximum(counts, 1.0)
    z = jnp.dot(pooled, w1_ref[...], precision=lax.Precision.HIGHEST,
                preferred_element_type=jnp.float32) + b1_ref[...]
    z = jnp.maximum(z, 0.0)
    logits = jnp.dot(z, w2_ref[...], precision=lax.Precision.HIGHEST,
                     preferred_element_type=jnp.float32) + b2_ref[...]
    m = jnp.max(logits, axis=1, keepdims=True)
    s = logits - m
    lse = jnp.log(jnp.sum(jnp.exp(s), axis=1, keepdims=True))
    out_ref[...] = s - lse


def _tc_head(h, batch2, w1, b1, w2, b2):
    d_out = w2.shape[1]
    return pl.pallas_call(
        _head_body,
        out_shape=jax.ShapeDtypeStruct((G, d_out), jnp.float32),
    )(h, batch2, w1, b1, w2, b2)


def kernel(x, edge_index, batch, params):
    src = edge_index[0].astype(jnp.int32)
    dst = edge_index[1].astype(jnp.int32)
    pad = E_PAD - E

    def to_tiles(idx, fill):
        flat = jnp.concatenate(
            [idx, jnp.full((pad,), fill, jnp.int32)]).reshape(TOTC, CHUNK)
        fast = flat[:NS * CPT_F].reshape(NS, CPT_F, CHUNK)
        slow = jnp.concatenate(
            [flat[NS * CPT_F:].reshape(NS, CPT_S, CHUNK),
             jnp.full((NS, CPT_F - CPT_S, CHUNK), fill, jnp.int32)], axis=1)
        blocks = [slow, fast] if SLOW_CID == 0 else [fast, slow]
        return jnp.concatenate(blocks, axis=0)

    src3 = to_tiles(src, 0)
    dst3 = to_tiles(dst, N)
    batch2 = batch.astype(jnp.int32).reshape(1, N)

    inv = 1.0 / jnp.sqrt(jnp.float32(1.0 + 1e-5))
    h = x
    for layer in params['convs']:
        parts = _sc_aggregate(h, src3, dst3)
        h = _tc_mlp(
            h, parts[0], parts[1],
            layer['W1'], layer['b1'].reshape(1, D),
            layer['W2'], layer['b2'].reshape(1, D),
            (layer['gamma'] * inv).reshape(1, D),
            layer['beta'].reshape(1, D),
            (layer['eps'] - 1.0).reshape(1, 1),
        )

    return _tc_head(h, batch2,
                    params['lin1_W'], params['lin1_b'].reshape(1, -1),
                    params['lin2_W'], params['lin2_b'].reshape(1, -1))

# --- scband reference (transcript-rebuilt; emitter-appended) ---
"""Pipeline reference for scband-gin-25091198943921 (READ-ONLY COPY).

The authoritative reference and input builder live on the scoring server;
editing this copy changes nothing except your own understanding.
"""

import jax, jax.numpy as jnp
import numpy as np

N = 10000
E = 320000
D_IN = 128
H = 128
D_OUT = 64
L = 4
G = 64


def _init_params():
    key = jax.random.key(42)
    convs = []
    dims = [D_IN] + [H] * L
    for i in range(L):
        key, k1, k2 = jax.random.split(key, 3)
        convs.append({
            'W1': jax.random.normal(k1, (dims[i], H), jnp.float32) / np.sqrt(dims[i]),
            'b1': jnp.zeros((H,), jnp.float32),
            'W2': jax.random.normal(k2, (H, H), jnp.float32) / np.sqrt(H),
            'b2': jnp.zeros((H,), jnp.float32),
            'gamma': jnp.ones((H,), jnp.float32),
            'beta': jnp.zeros((H,), jnp.float32),
            'eps': jnp.zeros((), jnp.float32),
        })
    key, k1, k2 = jax.random.split(key, 3)
    params = {
        'convs': convs,
        'lin1_W': jax.random.normal(k1, (H, H), jnp.float32) / np.sqrt(H),
        'lin1_b': jnp.zeros((H,), jnp.float32),
        'lin2_W': jax.random.normal(k2, (H, D_OUT), jnp.float32) / np.sqrt(H),
        'lin2_b': jnp.zeros((D_OUT,), jnp.float32),
    }
    return params


def setup_inputs(seed: int = 0):
    key = jax.random.key(seed)
    k1, k2, k3 = jax.random.split(key, 3)
    x = jax.random.normal(k1, (N, D_IN), dtype=jnp.float32)
    edge_index = jax.random.randint(k2, (2, E), 0, N)
    batch = jnp.sort(jax.random.randint(k3, (N,), 0, G))
    params = _init_params()
    return {'x': x, 'edge_index': edge_index, 'batch': batch, 'params': params}


def _forward(x, params, edge_index, batch):
    src = edge_index[0]
    dst = edge_index[1]
    h = x
    for layer in params['convs']:
        # GINConv (train_eps=True): nn((1 + eps) * x + sum_{j in N(i)} x_j)
        agg = jax.ops.segment_sum(h[src], dst, num_segments=N)
        z = (1.0 + layer['eps']) * h + agg
        z = jax.nn.relu(z @ layer['W1'] + layer['b1'])
        z = jax.nn.relu(z @ layer['W2'] + layer['b2'])
        # BatchNorm1d in eval mode: running_mean=0, running_var=1
        z = z / jnp.sqrt(1.0 + 1e-5) * layer['gamma'] + layer['beta']
        h = z
    # global_mean_pool over graph ids
    sums = jax.ops.segment_sum(h, batch, num_segments=G)
    counts = jax.ops.segment_sum(jnp.ones((N, 1), jnp.float32), batch, num_segments=G)
    pooled = sums / jnp.maximum(counts, 1.0)
    z = jax.nn.relu(pooled @ params['lin1_W'] + params['lin1_b'])
    # dropout: identity in eval mode
    logits = z @ params['lin2_W'] + params['lin2_b']
    return jax.nn.log_softmax(logits, axis=-1)


def reference(x, edge_index, batch, params):
    return _forward(x, params, edge_index, batch)

if __name__ == "__main__":
    import jax
    _d = setup_inputs()
    print(jax.jit(kernel)(*tuple(_d.values())))

</pallas_src>

<mosaic_0001>
#map = affine_map<(d0, d1) -> (0, 0)>
#map1 = affine_map<(d0, d1) -> (0, 0, 0)>
module attributes {stable_mosaic.version = 14 : i64} {
  func.func @agg_kernel(%arg0: i32, %arg1: i32, %arg2: memref<10000x128xf32, #tpu.memory_space<hbm>>, %arg3: memref<32x111x128xi32, #tpu.memory_space<hbm>>, %arg4: memref<32x111x128xi32, #tpu.memory_space<hbm>>, %arg5: memref<2x10000x128xf32, #tpu.memory_space<hbm>>, %arg6: memref<111x128xi32, #tpu.memory_space<vmem>>, %arg7: memref<111x128xi32, #tpu.memory_space<vmem>>, %arg8: memref<128x128xf32, #tpu.memory_space<vmem>>, %arg9: memref<10016x128xf32, #tpu.memory_space<vmem_shared>>, %arg10: memref<!tpu.dma_semaphore, #tpu.memory_space<semaphore_mem>>) attributes {dimension_semantics = [#tpu.dimension_semantics<core_parallel>, #tpu.dimension_semantics<subcore_parallel>], iteration_bounds = array<i64: 2, 16>, scalar_prefetch = 0 : i64, scratch_operands = 5 : i64, tpu.core_type = #tpu.core_type<sc_vector_subcore>, window_params = [{transform_indices = #map}, {transform_indices = #map1}, {transform_indices = #map1}, {transform_indices = #map1}]} {
    %mul3A = arith.constant 624 : i32
    %mul3A_0 = arith.muli %arg1, %mul3A : i32
    %mul3A_1 = arith.constant 624 : i32
    %mul3A_2 = arith.muli %arg1, %mul3A_1 : i32
    "tpu.region"() ({
      %run_scoped3A = tpu.sem_alloc : memref<!tpu.dma_semaphore, #tpu.memory_space<semaphore_mem>>
      %dma_start3A = arith.constant 0 : i32
      %dma_start3A_37 = tpu.memref_slice %arg9[%mul3A_2, %dma_start3A] : memref<10016x128xf32, #tpu.memory_space<vmem_shared>> -> memref<624x128xf32, #tpu.memory_space<vmem_shared>>
      %dma_start3A_38 = arith.constant 0 : i32
      %dma_start3A_39 = tpu.memref_slice %arg2[%mul3A_0, %dma_start3A_38] : memref<10000x128xf32, #tpu.memory_space<hbm>> -> memref<624x128xf32, #tpu.memory_space<hbm>>
      tpu.enqueue_dma source(%dma_start3A_39 : memref<624x128xf32, #tpu.memory_space<hbm>>) target(%dma_start3A_37 : memref<624x128xf32, #tpu.memory_space<vmem_shared>>) target_semaphore(%run_scoped3A : memref<!tpu.dma_semaphore, #tpu.memory_space<semaphore_mem>>)
      %dma_wait3A = arith.constant 0 : i32
      %dma_wait3A_40 = tpu.memref_slice %arg9[%mul3A_2, %dma_wait3A] : memref<10016x128xf32, #tpu.memory_space<vmem_shared>> -> memref<624x128xf32, #tpu.memory_space<vmem_shared>>
      %dma_wait3A_41 = arith.constant 0 : i32
      %dma_wait3A_42 = tpu.memref_slice %arg2[%mul3A_0, %dma_wait3A_41] : memref<10000x128xf32, #tpu.memory_space<hbm>> -> memref<624x128xf32, #tpu.memory_space<hbm>>
      tpu.wait_dma2 semaphore(%run_scoped3A : memref<!tpu.dma_semaphore, #tpu.memory_space<semaphore_mem>>) src(%dma_wait3A_42 : memref<624x128xf32, #tpu.memory_space<hbm>>) dst(%dma_wait3A_40 : memref<624x128xf32, #tpu.memory_space<vmem_shared>>)
      tpu.yield
    }) : () -> ()
    %eq3A = arith.constant 15 : i32
    %eq3A_3 = arith.cmpi eq, %arg1, %eq3A : i32
    %convert_element_type3A = arith.extui %eq3A_3 : i1 to i32
    %cond3A = arith.constant 0 : i32
    %cond3A_4 = arith.cmpi ne, %convert_element_type3A, %cond3A : i32
    scf.if %cond3A_4 {
      "tpu.region"() ({
        %run_scoped3A = tpu.sem_alloc : memref<!tpu.dma_semaphore, #tpu.memory_space<semaphore_mem>>
        %dma_start3A = arith.constant 9984 : i32
        %dma_start3A_37 = arith.constant 0 : i32
        %dma_start3A_38 = tpu.memref_slice %arg9[%dma_start3A, %dma_start3A_37] : memref<10016x128xf32, #tpu.memory_space<vmem_shared>> -> memref<16x128xf32, #tpu.memory_space<vmem_shared>>
        %dma_start3A_39 = arith.constant 9984 : i32
        %dma_start3A_40 = arith.constant 0 : i32
        %dma_start3A_41 = tpu.memref_slice %arg2[%dma_start3A_39, %dma_start3A_40] : memref<10000x128xf32, #tpu.memory_space<hbm>> -> memref<16x128xf32, #tpu.memory_space<hbm>>
        tpu.enqueue_dma source(%dma_start3A_41 : memref<16x128xf32, #tpu.memory_space<hbm>>) target(%dma_start3A_38 : memref<16x128xf32, #tpu.memory_space<vmem_shared>>) target_semaphore(%run_scoped3A : memref<!tpu.dma_semaphore, #tpu.memory_space<semaphore_mem>>)
        %dma_wait3A = arith.constant 9984 : i32
        %dma_wait3A_42 = arith.constant 0 : i32
        %dma_wait3A_43 = tpu.memref_slice %arg9[%dma_wait3A, %dma_wait3A_42] : memref<10016x128xf32, #tpu.memory_space<vmem_shared>> -> memref<16x128xf32, #tpu.memory_space<vmem_shared>>
        %dma_wait3A_44 = arith.constant 9984 : i32
        %dma_wait3A_45 = arith.constant 0 : i32
        %dma_wait3A_46 = tpu.memref_slice %arg2[%dma_wait3A_44, %dma_wait3A_45] : memref<10000x128xf32, #tpu.memory_space<hbm>> -> memref<16x128xf32, #tpu.memory_space<hbm>>
        tpu.wait_dma2 semaphore(%run_scoped3A : memref<!tpu.dma_semaphore, #tpu.memory_space<semaphore_mem>>) src(%dma_wait3A_46 : memref<16x128xf32, #tpu.memory_space<hbm>>) dst(%dma_wait3A_43 : memref<16x128xf32, #tpu.memory_space<vmem_shared>>)
        tpu.yield
      }) : () -> ()
    } else {
    }
    %barrier3A = arith.constant 0 : index
    tpu.barrier barrier_id(%barrier3A)
    %mul3A_5 = arith.constant 16 : i32
    %mul3A_6 = arith.muli %arg0, %mul3A_5 : i32
    %add3A = arith.addi %mul3A_6, %arg1 : i32
    "tpu.region"() ({
      %run_scoped3A = tpu.sem_alloc : memref<!tpu.dma_semaphore, #tpu.memory_space<semaphore_mem>>
      %dma_start3A = arith.constant 0 : i32
      %dma_start3A_37 = arith.constant 0 : i32
      %dma_start3A_38 = tpu.memref_slice %arg3[%add3A, %dma_start3A, %dma_start3A_37] : memref<32x111x128xi32, #tpu.memory_space<hbm>> -> memref<1x111x128xi32, #tpu.memory_space<hbm>>
      %dma_start3A_39 = tpu.memref_squeeze %dma_start3A_38 : memref<1x111x128xi32, #tpu.memory_space<hbm>> -> memref<111x128xi32, #tpu.memory_space<hbm>>
      %dma_start3A_40 = arith.constant 0 : i32
      %dma_start3A_41 = arith.constant 0 : i32
      %dma_start3A_42 = tpu.memref_slice %arg3[%add3A, %dma_start3A_40, %dma_start3A_41] : memref<32x111x128xi32, #tpu.memory_space<hbm>> -> memref<1x111x128xi32, #tpu.memory_space<hbm>>
      %dma_start3A_43 = tpu.memref_squeeze %dma_start3A_42 : memref<1x111x128xi32, #tpu.memory_space<hbm>> -> memref<111x128xi32, #tpu.memory_space<hbm>>
      tpu.enqueue_dma source(%dma_start3A_43 : memref<111x128xi32, #tpu.memory_space<hbm>>) target(%arg6 : memref<111x128xi32, #tpu.memory_space<vmem>>) target_semaphore(%run_scoped3A : memref<!tpu.dma_semaphore, #tpu.memory_space<semaphore_mem>>)
      %dma_wait3A = arith.constant 0 : i32
      %dma_wait3A_44 = arith.constant 0 : i32
      %dma_wait3A_45 = tpu.memref_slice %arg3[%add3A, %dma_wait3A, %dma_wait3A_44] : memref<32x111x128xi32, #tpu.memory_space<hbm>> -> memref<1x111x128xi32, #tpu.memory_space<hbm>>
      %dma_wait3A_46 = tpu.memref_squeeze %dma_wait3A_45 : memref<1x111x128xi32, #tpu.memory_space<hbm>> -> memref<111x128xi32, #tpu.memory_space<hbm>>
      %dma_wait3A_47 = arith.constant 0 : i32
      %dma_wait3A_48 = arith.constant 0 : i32
      %dma_wait3A_49 = tpu.memref_slice %arg3[%add3A, %dma_wait3A_47, %dma_wait3A_48] : memref<32x111x128xi32, #tpu.memory_space<hbm>> -> memref<1x111x128xi32, #tpu.memory_space<hbm>>
      %dma_wait3A_50 = tpu.memref_squeeze %dma_wait3A_49 : memref<1x111x128xi32, #tpu.memory_space<hbm>> -> memref<111x128xi32, #tpu.memory_space<hbm>>
      tpu.wait_dma2 semaphore(%run_scoped3A : memref<!tpu.dma_semaphore, #tpu.memory_space<semaphore_mem>>) src(%dma_wait3A_50 : memref<111x128xi32, #tpu.memory_space<hbm>>) dst(%arg6 : memref<111x128xi32, #tpu.memory_space<vmem>>)
      tpu.yield
    }) : () -> ()
    "tpu.region"() ({
      %run_scoped3A = tpu.sem_alloc : memref<!tpu.dma_semaphore, #tpu.memory_space<semaphore_mem>>
      %dma_start3A = arith.constant 0 : i32
      %dma_start3A_37 = arith.constant 0 : i32
      %dma_start3A_38 = tpu.memref_slice %arg4[%add3A, %dma_start3A, %dma_start3A_37] : memref<32x111x128xi32, #tpu.memory_space<hbm>> -> memref<1x111x128xi32, #tpu.memory_space<hbm>>
      %dma_start3A_39 = tpu.memref_squeeze %dma_start3A_38 : memref<1x111x128xi32, #tpu.memory_space<hbm>> -> memref<111x128xi32, #tpu.memory_space<hbm>>
      %dma_start3A_40 = arith.constant 0 : i32
      %dma_start3A_41 = arith.constant 0 : i32
      %dma_start3A_42 = tpu.memref_slice %arg4[%add3A, %dma_start3A_40, %dma_start3A_41] : memref<32x111x128xi32, #tpu.memory_space<hbm>> -> memref<1x111x128xi32, #tpu.memory_space<hbm>>
      %dma_start3A_43 = tpu.memref_squeeze %dma_start3A_42 : memref<1x111x128xi32, #tpu.memory_space<hbm>> -> memref<111x128xi32, #tpu.memory_space<hbm>>
      tpu.enqueue_dma source(%dma_start3A_43 : memref<111x128xi32, #tpu.memory_space<hbm>>) target(%arg7 : memref<111x128xi32, #tpu.memory_space<vmem>>) target_semaphore(%run_scoped3A : memref<!tpu.dma_semaphore, #tpu.memory_space<semaphore_mem>>)
      %dma_wait3A = arith.constant 0 : i32
      %dma_wait3A_44 = arith.constant 0 : i32
      %dma_wait3A_45 = tpu.memref_slice %arg4[%add3A, %dma_wait3A, %dma_wait3A_44] : memref<32x111x128xi32, #tpu.memory_space<hbm>> -> memref<1x111x128xi32, #tpu.memory_space<hbm>>
      %dma_wait3A_46 = tpu.memref_squeeze %dma_wait3A_45 : memref<1x111x128xi32, #tpu.memory_space<hbm>> -> memref<111x128xi32, #tpu.memory_space<hbm>>
      %dma_wait3A_47 = arith.constant 0 : i32
      %dma_wait3A_48 = arith.constant 0 : i32
      %dma_wait3A_49 = tpu.memref_slice %arg4[%add3A, %dma_wait3A_47, %dma_wait3A_48] : memref<32x111x128xi32, #tpu.memory_space<hbm>> -> memref<1x111x128xi32, #tpu.memory_space<hbm>>
      %dma_wait3A_50 = tpu.memref_squeeze %dma_wait3A_49 : memref<1x111x128xi32, #tpu.memory_space<hbm>> -> memref<111x128xi32, #tpu.memory_space<hbm>>
      tpu.wait_dma2 semaphore(%run_scoped3A : memref<!tpu.dma_semaphore, #tpu.memory_space<semaphore_mem>>) src(%dma_wait3A_50 : memref<111x128xi32, #tpu.memory_space<hbm>>) dst(%arg7 : memref<111x128xi32, #tpu.memory_space<vmem>>)
      tpu.yield
    }) : () -> ()
    %eq3A_7 = arith.constant 1 : i32
    %eq3A_8 = arith.cmpi eq, %arg0, %eq3A_7 : i32
    %select_n3A = arith.constant 111 : i32
    %select_n3A_9 = arith.constant 47 : i32
    %select_n3A_10 = arith.select %eq3A_8, %select_n3A_9, %select_n3A : i32
    %sub3A = arith.constant 0 : i32
    %sub3A_11 = arith.subi %select_n3A_10, %sub3A : i32
    %sub3A_12 = arith.constant 1 : i32
    %sub3A_13 = arith.constant 1 : i32
    %sub3A_14 = arith.subi %sub3A_12, %sub3A_13 : i32
    %add3A_15 = arith.addi %sub3A_11, %sub3A_14 : i32
    %div3A = arith.constant 1 : i32
    %div3A_16 = arith.divsi %add3A_15, %div3A : i32
    %while3A = arith.constant 1 : i32
    %while3A_17 = arith.constant 0 : i32
    %while3A_18 = arith.constant 0 : i32
    %while3A_19 = arith.subi %div3A_16, %while3A_18 : i32
    %while3A_20 = arith.addi %while3A_18, %while3A_19 : i32
    %while3A_21 = arith.constant 1 : i32
    %while3A_22 = arith.divsi %while3A_19, %while3A_21 : i32
    %while3A_23 = arith.muli %while3A_22, %while3A_21 : i32
    %while3A_24 = arith.addi %while3A_18, %while3A_23 : i32
    %while3A_25 = arith.constant 1 : i32
    scf.for %while3A_37 = %while3A_18 to %while3A_24 step %while3A_25  : i32 {
      %mul3A_38 = arith.muli %while3A_37, %while3A : i32
      %add3A_39 = arith.addi %while3A_17, %mul3A_38 : i32
      %dma_start3A = arith.constant 0 : i32
      %dma_start3A_40 = tpu.memref_slice %arg6[%add3A_39, %dma_start3A] : memref<111x128xi32, #tpu.memory_space<vmem>> -> memref<1x128xi32, #tpu.memory_space<vmem>>
      %dma_start3A_41 = tpu.memref_squeeze %dma_start3A_40 : memref<1x128xi32, #tpu.memory_space<vmem>> -> memref<128xi32, #tpu.memory_space<vmem>>
      %dma_start3A_42 = arith.constant 0 : i32
      %dma_start3A_43 = arith.constant 0 : i32
      %dma_start3A_44 = tpu.memref_slice %arg2[%dma_start3A_42, %dma_start3A_43] : memref<10000x128xf32, #tpu.memory_space<hbm>> -> memref<10000x128xf32, #tpu.memory_space<hbm>>
      tpu.enqueue_indirect_dma source(%dma_start3A_44 : memref<10000x128xf32, #tpu.memory_space<hbm>>) target(%arg8 : memref<128x128xf32, #tpu.memory_space<vmem>>) offsets(%dma_start3A_41 : memref<128xi32, #tpu.memory_space<vmem>>) semaphore(%arg10 : memref<!tpu.dma_semaphore, #tpu.memory_space<semaphore_mem>>)
      %dma_wait3A = arith.constant 0 : i32
      %dma_wait3A_45 = tpu.memref_slice %arg6[%add3A_39, %dma_wait3A] : memref<111x128xi32, #tpu.memory_space<vmem>> -> memref<1x128xi32, #tpu.memory_space<vmem>>
      %dma_wait3A_46 = tpu.memref_squeeze %dma_wait3A_45 : memref<1x128xi32, #tpu.memory_space<vmem>> -> memref<128xi32, #tpu.memory_space<vmem>>
      %dma_wait3A_47 = arith.constant 0 : i32
      %dma_wait3A_48 = arith.constant 0 : i32
      %dma_wait3A_49 = tpu.memref_slice %arg2[%dma_wait3A_47, %dma_wait3A_48] : memref<10000x128xf32, #tpu.memory_space<hbm>> -> memref<10000x128xf32, #tpu.memory_space<hbm>>
      tpu.wait_indirect_dma semaphore(%arg10 : memref<!tpu.dma_semaphore, #tpu.memory_space<semaphore_mem>>) src(%dma_wait3A_49 : memref<10000x128xf32, #tpu.memory_space<hbm>>) dst(%arg8 : memref<128x128xf32, #tpu.memory_space<vmem>>)
      "tpu.region"() ({
        %run_scoped3A = tpu.sem_alloc : memref<!tpu.dma_semaphore, #tpu.memory_space<semaphore_mem>>
        %dma_start3A_50 = arith.constant 0 : i32
        %dma_start3A_51 = tpu.memref_slice %arg7[%add3A_39, %dma_start3A_50] : memref<111x128xi32, #tpu.memory_space<vmem>> -> memref<1x128xi32, #tpu.memory_space<vmem>>
        %dma_start3A_52 = tpu.memref_squeeze %dma_start3A_51 : memref<1x128xi32, #tpu.memory_space<vmem>> -> memref<128xi32, #tpu.memory_space<vmem>>
        %dma_start3A_53 = arith.constant 0 : i32
        %dma_start3A_54 = arith.constant 0 : i32
        %dma_start3A_55 = tpu.memref_slice %arg9[%dma_start3A_53, %dma_start3A_54] : memref<10016x128xf32, #tpu.memory_space<vmem_shared>> -> memref<10016x128xf32, #tpu.memory_space<vmem_shared>>
        tpu.enqueue_indirect_dma source(%arg8 : memref<128x128xf32, #tpu.memory_space<vmem>>) target(%dma_start3A_55 : memref<10016x128xf32, #tpu.memory_space<vmem_shared>>) offsets(%dma_start3A_52 : memref<128xi32, #tpu.memory_space<vmem>>) semaphore(%run_scoped3A : memref<!tpu.dma_semaphore, #tpu.memory_space<semaphore_mem>>) {add = true}
        %dma_wait3A_56 = arith.constant 0 : i32
        %dma_wait3A_57 = tpu.memref_slice %arg7[%add3A_39, %dma_wait3A_56] : memref<111x128xi32, #tpu.memory_space<vmem>> -> memref<1x128xi32, #tpu.memory_space<vmem>>
        %dma_wait3A_58 = tpu.memref_squeeze %dma_wait3A_57 : memref<1x128xi32, #tpu.memory_space<vmem>> -> memref<128xi32, #tpu.memory_space<vmem>>
        %dma_wait3A_59 = arith.constant 0 : i32
        %dma_wait3A_60 = arith.constant 0 : i32
        %dma_wait3A_61 = tpu.memref_slice %arg9[%dma_wait3A_59, %dma_wait3A_60] : memref<10016x128xf32, #tpu.memory_space<vmem_shared>> -> memref<10016x128xf32, #tpu.memory_space<vmem_shared>>
        tpu.wait_indirect_dma semaphore(%run_scoped3A : memref<!tpu.dma_semaphore, #tpu.memory_space<semaphore_mem>>) src(%arg8 : memref<128x128xf32, #tpu.memory_space<vmem>>) dst(%dma_wait3A_61 : memref<10016x128xf32, #tpu.memory_space<vmem_shared>>)
        tpu.yield
      }) : () -> ()
    }
    %while3A_26 = arith.constant 1 : i32
    scf.for %while3A_37 = %while3A_24 to %while3A_20 step %while3A_26  : i32 {
      %mul3A_38 = arith.muli %while3A_37, %while3A : i32
      %add3A_39 = arith.addi %while3A_17, %mul3A_38 : i32
      %dma_start3A = arith.constant 0 : i32
      %dma_start3A_40 = tpu.memref_slice %arg6[%add3A_39, %dma_start3A] : memref<111x128xi32, #tpu.memory_space<vmem>> -> memref<1x128xi32, #tpu.memory_space<vmem>>
      %dma_start3A_41 = tpu.memref_squeeze %dma_start3A_40 : memref<1x128xi32, #tpu.memory_space<vmem>> -> memref<128xi32, #tpu.memory_space<vmem>>
      %dma_start3A_42 = arith.constant 0 : i32
      %dma_start3A_43 = arith.constant 0 : i32
      %dma_start3A_44 = tpu.memref_slice %arg2[%dma_start3A_42, %dma_start3A_43] : memref<10000x128xf32, #tpu.memory_space<hbm>> -> memref<10000x128xf32, #tpu.memory_space<hbm>>
      tpu.enqueue_indirect_dma source(%dma_start3A_44 : memref<10000x128xf32, #tpu.memory_space<hbm>>) target(%arg8 : memref<128x128xf32, #tpu.memory_space<vmem>>) offsets(%dma_start3A_41 : memref<128xi32, #tpu.memory_space<vmem>>) semaphore(%arg10 : memref<!tpu.dma_semaphore, #tpu.memory_space<semaphore_mem>>)
      %dma_wait3A = arith.constant 0 : i32
      %dma_wait3A_45 = tpu.memref_slice %arg6[%add3A_39, %dma_wait3A] : memref<111x128xi32, #tpu.memory_space<vmem>> -> memref<1x128xi32, #tpu.memory_space<vmem>>
      %dma_wait3A_46 = tpu.memref_squeeze %dma_wait3A_45 : memref<1x128xi32, #tpu.memory_space<vmem>> -> memref<128xi32, #tpu.memory_space<vmem>>
      %dma_wait3A_47 = arith.constant 0 : i32
      %dma_wait3A_48 = arith.constant 0 : i32
      %dma_wait3A_49 = tpu.memref_slice %arg2[%dma_wait3A_47, %dma_wait3A_48] : memref<10000x128xf32, #tpu.memory_space<hbm>> -> memref<10000x128xf32, #tpu.memory_space<hbm>>
      tpu.wait_indirect_dma semaphore(%arg10 : memref<!tpu.dma_semaphore, #tpu.memory_space<semaphore_mem>>) src(%dma_wait3A_49 : memref<10000x128xf32, #tpu.memory_space<hbm>>) dst(%arg8 : memref<128x128xf32, #tpu.memory_space<vmem>>)
      "tpu.region"() ({
        %run_scoped3A = tpu.sem_alloc : memref<!tpu.dma_semaphore, #tpu.memory_space<semaphore_mem>>
        %dma_start3A_50 = arith.constant 0 : i32
        %dma_start3A_51 = tpu.memref_slice %arg7[%add3A_39, %dma_start3A_50] : memref<111x128xi32, #tpu.memory_space<vmem>> -> memref<1x128xi32, #tpu.memory_space<vmem>>
        %dma_start3A_52 = tpu.memref_squeeze %dma_start3A_51 : memref<1x128xi32, #tpu.memory_space<vmem>> -> memref<128xi32, #tpu.memory_space<vmem>>
        %dma_start3A_53 = arith.constant 0 : i32
        %dma_start3A_54 = arith.constant 0 : i32
        %dma_start3A_55 = tpu.memref_slice %arg9[%dma_start3A_53, %dma_start3A_54] : memref<10016x128xf32, #tpu.memory_space<vmem_shared>> -> memref<10016x128xf32, #tpu.memory_space<vmem_shared>>
        tpu.enqueue_indirect_dma source(%arg8 : memref<128x128xf32, #tpu.memory_space<vmem>>) target(%dma_start3A_55 : memref<10016x128xf32, #tpu.memory_space<vmem_shared>>) offsets(%dma_start3A_52 : memref<128xi32, #tpu.memory_space<vmem>>) semaphore(%run_scoped3A : memref<!tpu.dma_semaphore, #tpu.memory_space<semaphore_mem>>) {add = true}
        %dma_wait3A_56 = arith.constant 0 : i32
        %dma_wait3A_57 = tpu.memref_slice %arg7[%add3A_39, %dma_wait3A_56] : memref<111x128xi32, #tpu.memory_space<vmem>> -> memref<1x128xi32, #tpu.memory_space<vmem>>
        %dma_wait3A_58 = tpu.memref_squeeze %dma_wait3A_57 : memref<1x128xi32, #tpu.memory_space<vmem>> -> memref<128xi32, #tpu.memory_space<vmem>>
        %dma_wait3A_59 = arith.constant 0 : i32
        %dma_wait3A_60 = arith.constant 0 : i32
        %dma_wait3A_61 = tpu.memref_slice %arg9[%dma_wait3A_59, %dma_wait3A_60] : memref<10016x128xf32, #tpu.memory_space<vmem_shared>> -> memref<10016x128xf32, #tpu.memory_space<vmem_shared>>
        tpu.wait_indirect_dma semaphore(%run_scoped3A : memref<!tpu.dma_semaphore, #tpu.memory_space<semaphore_mem>>) src(%arg8 : memref<128x128xf32, #tpu.memory_space<vmem>>) dst(%dma_wait3A_61 : memref<10016x128xf32, #tpu.memory_space<vmem_shared>>)
        tpu.yield
      }) : () -> ()
    }
    %barrier3A_27 = arith.constant 0 : index
    tpu.barrier barrier_id(%barrier3A_27)
    %mul3A_28 = arith.constant 624 : i32
    %mul3A_29 = arith.muli %arg1, %mul3A_28 : i32
    %mul3A_30 = arith.constant 624 : i32
    %mul3A_31 = arith.muli %arg1, %mul3A_30 : i32
    "tpu.region"() ({
      %run_scoped3A = tpu.sem_alloc : memref<!tpu.dma_semaphore, #tpu.memory_space<semaphore_mem>>
      %dma_start3A = arith.constant 0 : i32
      %dma_start3A_37 = tpu.memref_slice %arg5[%arg0, %mul3A_31, %dma_start3A] : memref<2x10000x128xf32, #tpu.memory_space<hbm>> -> memref<1x624x128xf32, #tpu.memory_space<hbm>>
      %dma_start3A_38 = tpu.memref_squeeze %dma_start3A_37 : memref<1x624x128xf32, #tpu.memory_space<hbm>> -> memref<624x128xf32, #tpu.memory_space<hbm>>
      %dma_start3A_39 = arith.constant 0 : i32
      %dma_start3A_40 = tpu.memref_slice %arg9[%mul3A_29, %dma_start3A_39] : memref<10016x128xf32, #tpu.memory_space<vmem_shared>> -> memref<624x128xf32, #tpu.memory_space<vmem_shared>>
      tpu.enqueue_dma source(%dma_start3A_40 : memref<624x128xf32, #tpu.memory_space<vmem_shared>>) target(%dma_start3A_38 : memref<624x128xf32, #tpu.memory_space<hbm>>) target_semaphore(%run_scoped3A : memref<!tpu.dma_semaphore, #tpu.memory_space<semaphore_mem>>)
      %dma_wait3A = arith.constant 0 : i32
      %dma_wait3A_41 = tpu.memref_slice %arg5[%arg0, %mul3A_31, %dma_wait3A] : memref<2x10000x128xf32, #tpu.memory_space<hbm>> -> memref<1x624x128xf32, #tpu.memory_space<hbm>>
      %dma_wait3A_42 = tpu.memref_squeeze %dma_wait3A_41 : memref<1x624x128xf32, #tpu.memory_space<hbm>> -> memref<624x128xf32, #tpu.memory_space<hbm>>
      %dma_wait3A_43 = arith.constant 0 : i32
      %dma_wait3A_44 = tpu.memref_slice %arg9[%mul3A_29, %dma_wait3A_43] : memref<10016x128xf32, #tpu.memory_space<vmem_shared>> -> memref<624x128xf32, #tpu.memory_space<vmem_shared>>
      tpu.wait_dma2 semaphore(%run_scoped3A : memref<!tpu.dma_semaphore, #tpu.memory_space<semaphore_mem>>) src(%dma_wait3A_44 : memref<624x128xf32, #tpu.memory_space<vmem_shared>>) dst(%dma_wait3A_42 : memref<624x128xf32, #tpu.memory_space<hbm>>)
      tpu.yield
    }) : () -> ()
    %eq3A_32 = arith.constant 15 : i32
    %eq3A_33 = arith.cmpi eq, %arg1, %eq3A_32 : i32
    %convert_element_type3A_34 = arith.extui %eq3A_33 : i1 to i32
    %cond3A_35 = arith.constant 0 : i32
    %cond3A_36 = arith.cmpi ne, %convert_element_type3A_34, %cond3A_35 : i32
    scf.if %cond3A_36 {
      "tpu.region"() ({
        %run_scoped3A = tpu.sem_alloc : memref<!tpu.dma_semaphore, #tpu.memory_space<semaphore_mem>>
        %dma_start3A = arith.constant 9984 : i32
        %dma_start3A_37 = arith.constant 0 : i32
        %dma_start3A_38 = tpu.memref_slice %arg5[%arg0, %dma_start3A, %dma_start3A_37] : memref<2x10000x128xf32, #tpu.memory_space<hbm>> -> memref<1x16x128xf32, #tpu.memory_space<hbm>>
        %dma_start3A_39 = tpu.memref_squeeze %dma_start3A_38 : memref<1x16x128xf32, #tpu.memory_space<hbm>> -> memref<16x128xf32, #tpu.memory_space<hbm>>
        %dma_start3A_40 = arith.constant 9984 : i32
        %dma_start3A_41 = arith.constant 0 : i32
        %dma_start3A_42 = tpu.memref_slice %arg9[%dma_start3A_40, %dma_start3A_41] : memref<10016x128xf32, #tpu.memory_space<vmem_shared>> -> memref<16x128xf32, #tpu.memory_space<vmem_shared>>
        tpu.enqueue_dma source(%dma_start3A_42 : memref<16x128xf32, #tpu.memory_space<vmem_shared>>) target(%dma_start3A_39 : memref<16x128xf32, #tpu.memory_space<hbm>>) target_semaphore(%run_scoped3A : memref<!tpu.dma_semaphore, #tpu.memory_space<semaphore_mem>>)
        %dma_wait3A = arith.constant 9984 : i32
        %dma_wait3A_43 = arith.constant 0 : i32
        %dma_wait3A_44 = tpu.memref_slice %arg5[%arg0, %dma_wait3A, %dma_wait3A_43] : memref<2x10000x128xf32, #tpu.memory_space<hbm>> -> memref<1x16x128xf32, #tpu.memory_space<hbm>>
        %dma_wait3A_45 = tpu.memref_squeeze %dma_wait3A_44 : memref<1x16x128xf32, #tpu.memory_space<hbm>> -> memref<16x128xf32, #tpu.memory_space<hbm>>
        %dma_wait3A_46 = arith.constant 9984 : i32
        %dma_wait3A_47 = arith.constant 0 : i32
        %dma_wait3A_48 = tpu.memref_slice %arg9[%dma_wait3A_46, %dma_wait3A_47] : memref<10016x128xf32, #tpu.memory_space<vmem_shared>> -> memref<16x128xf32, #tpu.memory_space<vmem_shared>>
        tpu.wait_dma2 semaphore(%run_scoped3A : memref<!tpu.dma_semaphore, #tpu.memory_space<semaphore_mem>>) src(%dma_wait3A_48 : memref<16x128xf32, #tpu.memory_space<vmem_shared>>) dst(%dma_wait3A_45 : memref<16x128xf32, #tpu.memory_space<hbm>>)
        tpu.yield
      }) : () -> ()
    } else {
    }
    return
  }
}

#map = affine_map<(d0, d1) -> (0, 0)>
#map1 = affine_map<(d0, d1) -> (0, 0, 0)>
module attributes {stable_mosaic.version = 14 : i64} {
  func.func @agg_kernel(%arg0: i32, %arg1: i32, %arg2: memref<10000x128xf32, #tpu.memory_space<hbm>>, %arg3: memref<32x111x128xi32, #tpu.memory_space<hbm>>, %arg4: memref<32x111x128xi32, #tpu.memory_space<hbm>>, %arg5: memref<2x10000x128xf32, #tpu.memory_space<hbm>>, %arg6: memref<111x128xi32, #tpu.memory_space<vmem>>, %arg7: memref<111x128xi32, #tpu.memory_space<vmem>>, %arg8: memref<128x128xf32, #tpu.memory_space<vmem>>, %arg9: memref<10016x128xf32, #tpu.memory_space<vmem_shared>>, %arg10: memref<!tpu.dma_semaphore, #tpu.memory_space<semaphore_mem>>) attributes {dimension_semantics = [#tpu.dimension_semantics<core_parallel>, #tpu.dimension_semantics<subcore_parallel>], iteration_bounds = array<i64: 2, 16>, scalar_prefetch = 0 : i64, scratch_operands = 5 : i64, tpu.core_type = #tpu.core_type<sc_vector_subcore>, window_params = [{transform_indices = #map}, {transform_indices = #map1}, {transform_indices = #map1}, {transform_indices = #map1}]} {
    %mul3A = arith.constant 624 : i32
    %mul3A_0 = arith.muli %arg1, %mul3A : i32
    %mul3A_1 = arith.constant 624 : i32
    %mul3A_2 = arith.muli %arg1, %mul3A_1 : i32
    "tpu.region"() ({
      %run_scoped3A = tpu.sem_alloc : memref<!tpu.dma_semaphore, #tpu.memory_space<semaphore_mem>>
      %dma_start3A = arith.constant 0 : i32
      %dma_start3A_37 = tpu.memref_slice %arg9[%mul3A_2, %dma_start3A] : memref<10016x128xf32, #tpu.memory_space<vmem_shared>> -> memref<624x128xf32, #tpu.memory_space<vmem_shared>>
      %dma_start3A_38 = arith.constant 0 : i32
      %dma_start3A_39 = tpu.memref_slice %arg2[%mul3A_0, %dma_start3A_38] : memref<10000x128xf32, #tpu.memory_space<hbm>> -> memref<624x128xf32, #tpu.memory_space<hbm>>
      tpu.enqueue_dma source(%dma_start3A_39 : memref<624x128xf32, #tpu.memory_space<hbm>>) target(%dma_start3A_37 : memref<624x128xf32, #tpu.memory_space<vmem_shared>>) target_semaphore(%run_scoped3A : memref<!tpu.dma_semaphore, #tpu.memory_space<semaphore_mem>>)
      %dma_wait3A = arith.constant 0 : i32
      %dma_wait3A_40 = tpu.memref_slice %arg9[%mul3A_2, %dma_wait3A] : memref<10016x128xf32, #tpu.memory_space<vmem_shared>> -> memref<624x128xf32, #tpu.memory_space<vmem_shared>>
      %dma_wait3A_41 = arith.constant 0 : i32
      %dma_wait3A_42 = tpu.memref_slice %arg2[%mul3A_0, %dma_wait3A_41] : memref<10000x128xf32, #tpu.memory_space<hbm>> -> memref<624x128xf32, #tpu.memory_space<hbm>>
      tpu.wait_dma2 semaphore(%run_scoped3A : memref<!tpu.dma_semaphore, #tpu.memory_space<semaphore_mem>>) src(%dma_wait3A_42 : memref<624x128xf32, #tpu.memory_space<hbm>>) dst(%dma_wait3A_40 : memref<624x128xf32, #tpu.memory_space<vmem_shared>>)
      tpu.yield
    }) : () -> ()
    %eq3A = arith.constant 15 : i32
    %eq3A_3 = arith.cmpi eq, %arg1, %eq3A : i32
    %convert_element_type3A = arith.extui %eq3A_3 : i1 to i32
    %cond3A = arith.constant 0 : i32
    %cond3A_4 = arith.cmpi ne, %convert_element_type3A, %cond3A : i32
    scf.if %cond3A_4 {
      "tpu.region"() ({
        %run_scoped3A = tpu.sem_alloc : memref<!tpu.dma_semaphore, #tpu.memory_space<semaphore_mem>>
        %dma_start3A = arith.constant 9984 : i32
        %dma_start3A_37 = arith.constant 0 : i32
        %dma_start3A_38 = tpu.memref_slice %arg9[%dma_start3A, %dma_start3A_37] : memref<10016x128xf32, #tpu.memory_space<vmem_shared>> -> memref<16x128xf32, #tpu.memory_space<vmem_shared>>
        %dma_start3A_39 = arith.constant 9984 : i32
        %dma_start3A_40 = arith.constant 0 : i32
        %dma_start3A_41 = tpu.memref_slice %arg2[%dma_start3A_39, %dma_start3A_40] : memref<10000x128xf32, #tpu.memory_space<hbm>> -> memref<16x128xf32, #tpu.memory_space<hbm>>
        tpu.enqueue_dma source(%dma_start3A_41 : memref<16x128xf32, #tpu.memory_space<hbm>>) target(%dma_start3A_38 : memref<16x128xf32, #tpu.memory_space<vmem_shared>>) target_semaphore(%run_scoped3A : memref<!tpu.dma_semaphore, #tpu.memory_space<semaphore_mem>>)
        %dma_wait3A = arith.constant 9984 : i32
        %dma_wait3A_42 = arith.constant 0 : i32
        %dma_wait3A_43 = tpu.memref_slice %arg9[%dma_wait3A, %dma_wait3A_42] : memref<10016x128xf32, #tpu.memory_space<vmem_shared>> -> memref<16x128xf32, #tpu.memory_space<vmem_shared>>
        %dma_wait3A_44 = arith.constant 9984 : i32
        %dma_wait3A_45 = arith.constant 0 : i32
        %dma_wait3A_46 = tpu.memref_slice %arg2[%dma_wait3A_44, %dma_wait3A_45] : memref<10000x128xf32, #tpu.memory_space<hbm>> -> memref<16x128xf32, #tpu.memory_space<hbm>>
        tpu.wait_dma2 semaphore(%run_scoped3A : memref<!tpu.dma_semaphore, #tpu.memory_space<semaphore_mem>>) src(%dma_wait3A_46 : memref<16x128xf32, #tpu.memory_space<hbm>>) dst(%dma_wait3A_43 : memref<16x128xf32, #tpu.memory_space<vmem_shared>>)
        tpu.yield
      }) : () -> ()
    } else {
    }
    %barrier3A = arith.constant 0 : index
    tpu.barrier barrier_id(%barrier3A)
    %mul3A_5 = arith.constant 16 : i32
    %mul3A_6 = arith.muli %arg0, %mul3A_5 : i32
    %add3A = arith.addi %mul3A_6, %arg1 : i32
    "tpu.region"() ({
      %run_scoped3A = tpu.sem_alloc : memref<!tpu.dma_semaphore, #tpu.memory_space<semaphore_mem>>
      %dma_start3A = arith.constant 0 : i32
      %dma_start3A_37 = arith.constant 0 : i32
      %dma_start3A_38 = tpu.memref_slice %arg3[%add3A, %dma_start3A, %dma_start3A_37] : memref<32x111x128xi32, #tpu.memory_space<hbm>> -> memref<1x111x128xi32, #tpu.memory_space<hbm>>
      %dma_start3A_39 = tpu.memref_squeeze %dma_start3A_38 : memref<1x111x128xi32, #tpu.memory_space<hbm>> -> memref<111x128xi32, #tpu.memory_space<hbm>>
      %dma_start3A_40 = arith.constant 0 : i32
      %dma_start3A_41 = arith.constant 0 : i32
      %dma_start3A_42 = tpu.memref_slice %arg3[%add3A, %dma_start3A_40, %dma_start3A_41] : memref<32x111x128xi32, #tpu.memory_space<hbm>> -> memref<1x111x128xi32, #tpu.memory_space<hbm>>
      %dma_start3A_43 = tpu.memref_squeeze %dma_start3A_42 : memref<1x111x128xi32, #tpu.memory_space<hbm>> -> memref<111x128xi32, #tpu.memory_space<hbm>>
      tpu.enqueue_dma source(%dma_start3A_43 : memref<111x128xi32, #tpu.memory_space<hbm>>) target(%arg6 : memref<111x128xi32, #tpu.memory_space<vmem>>) target_semaphore(%run_scoped3A : memref<!tpu.dma_semaphore, #tpu.memory_space<semaphore_mem>>)
      %dma_wait3A = arith.constant 0 : i32
      %dma_wait3A_44 = arith.constant 0 : i32
      %dma_wait3A_45 = tpu.memref_slice %arg3[%add3A, %dma_wait3A, %dma_wait3A_44] : memref<32x111x128xi32, #tpu.memory_space<hbm>> -> memref<1x111x128xi32, #tpu.memory_space<hbm>>
      %dma_wait3A_46 = tpu.memref_squeeze %dma_wait3A_45 : memref<1x111x128xi32, #tpu.memory_space<hbm>> -> memref<111x128xi32, #tpu.memory_space<hbm>>
      %dma_wait3A_47 = arith.constant 0 : i32
      %dma_wait3A_48 = arith.constant 0 : i32
      %dma_wait3A_49 = tpu.memref_slice %arg3[%add3A, %dma_wait3A_47, %dma_wait3A_48] : memref<32x111x128xi32, #tpu.memory_space<hbm>> -> memref<1x111x128xi32, #tpu.memory_space<hbm>>
      %dma_wait3A_50 = tpu.memref_squeeze %dma_wait3A_49 : memref<1x111x128xi32, #tpu.memory_space<hbm>> -> memref<111x128xi32, #tpu.memory_space<hbm>>
      tpu.wait_dma2 semaphore(%run_scoped3A : memref<!tpu.dma_semaphore, #tpu.memory_space<semaphore_mem>>) src(%dma_wait3A_50 : memref<111x128xi32, #tpu.memory_space<hbm>>) dst(%arg6 : memref<111x128xi32, #tpu.memory_space<vmem>>)
      tpu.yield
    }) : () -> ()
    "tpu.region"() ({
      %run_scoped3A = tpu.sem_alloc : memref<!tpu.dma_semaphore, #tpu.memory_space<semaphore_mem>>
      %dma_start3A = arith.constant 0 : i32
      %dma_start3A_37 = arith.constant 0 : i32
      %dma_start3A_38 = tpu.memref_slice %arg4[%add3A, %dma_start3A, %dma_start3A_37] : memref<32x111x128xi32, #tpu.memory_space<hbm>> -> memref<1x111x128xi32, #tpu.memory_space<hbm>>
      %dma_start3A_39 = tpu.memref_squeeze %dma_start3A_38 : memref<1x111x128xi32, #tpu.memory_space<hbm>> -> memref<111x128xi32, #tpu.memory_space<hbm>>
      %dma_start3A_40 = arith.constant 0 : i32
      %dma_start3A_41 = arith.constant 0 : i32
      %dma_start3A_42 = tpu.memref_slice %arg4[%add3A, %dma_start3A_40, %dma_start3A_41] : memref<32x111x128xi32, #tpu.memory_space<hbm>> -> memref<1x111x128xi32, #tpu.memory_space<hbm>>
      %dma_start3A_43 = tpu.memref_squeeze %dma_start3A_42 : memref<1x111x128xi32, #tpu.memory_space<hbm>> -> memref<111x128xi32, #tpu.memory_space<hbm>>
      tpu.enqueue_dma source(%dma_start3A_43 : memref<111x128xi32, #tpu.memory_space<hbm>>) target(%arg7 : memref<111x128xi32, #tpu.memory_space<vmem>>) target_semaphore(%run_scoped3A : memref<!tpu.dma_semaphore, #tpu.memory_space<semaphore_mem>>)
      %dma_wait3A = arith.constant 0 : i32
      %dma_wait3A_44 = arith.constant 0 : i32
      %dma_wait3A_45 = tpu.memref_slice %arg4[%add3A, %dma_wait3A, %dma_wait3A_44] : memref<32x111x128xi32, #tpu.memory_space<hbm>> -> memref<1x111x128xi32, #tpu.memory_space<hbm>>
      %dma_wait3A_46 = tpu.memref_squeeze %dma_wait3A_45 : memref<1x111x128xi32, #tpu.memory_space<hbm>> -> memref<111x128xi32, #tpu.memory_space<hbm>>
      %dma_wait3A_47 = arith.constant 0 : i32
      %dma_wait3A_48 = arith.constant 0 : i32
      %dma_wait3A_49 = tpu.memref_slice %arg4[%add3A, %dma_wait3A_47, %dma_wait3A_48] : memref<32x111x128xi32, #tpu.memory_space<hbm>> -> memref<1x111x128xi32, #tpu.memory_space<hbm>>
      %dma_wait3A_50 = tpu.memref_squeeze %dma_wait3A_49 : memref<1x111x128xi32, #tpu.memory_space<hbm>> -> memref<111x128xi32, #tpu.memory_space<hbm>>
      tpu.wait_dma2 semaphore(%run_scoped3A : memref<!tpu.dma_semaphore, #tpu.memory_space<semaphore_mem>>) src(%dma_wait3A_50 : memref<111x128xi32, #tpu.memory_space<hbm>>) dst(%arg7 : memref<111x128xi32, #tpu.memory_space<vmem>>)
      tpu.yield
    }) : () -> ()
    %eq3A_7 = arith.constant 1 : i32
    %eq3A_8 = arith.cmpi eq, %arg0, %eq3A_7 : i32
    %select_n3A = arith.constant 111 : i32
    %select_n3A_9 = arith.constant 47 : i32
    %select_n3A_10 = arith.select %eq3A_8, %select_n3A_9, %select_n3A : i32
    %sub3A = arith.constant 0 : i32
    %sub3A_11 = arith.subi %select_n3A_10, %sub3A : i32
    %sub3A_12 = arith.constant 1 : i32
    %sub3A_13 = arith.constant 1 : i32
    %sub3A_14 = arith.subi %sub3A_12, %sub3A_13 : i32
    %add3A_15 = arith.addi %sub3A_11, %sub3A_14 : i32
    %div3A = arith.constant 1 : i32
    %div3A_16 = arith.divsi %add3A_15, %div3A : i32
    %while3A = arith.constant 1 : i32
    %while3A_17 = arith.constant 0 : i32
    %while3A_18 = arith.constant 0 : i32
    %while3A_19 = arith.subi %div3A_16, %while3A_18 : i32
    %while3A_20 = arith.addi %while3A_18, %while3A_19 : i32
    %while3A_21 = arith.constant 1 : i32
    %while3A_22 = arith.divsi %while3A_19, %while3A_21 : i32
    %while3A_23 = arith.muli %while3A_22, %while3A_21 : i32
    %while3A_24 = arith.addi %while3A_18, %while3A_23 : i32
    %while3A_25 = arith.constant 1 : i32
    scf.for %while3A_37 = %while3A_18 to %while3A_24 step %while3A_25  : i32 {
      %mul3A_38 = arith.muli %while3A_37, %while3A : i32
      %add3A_39 = arith.addi %while3A_17, %mul3A_38 : i32
      %dma_start3A = arith.constant 0 : i32
      %dma_start3A_40 = tpu.memref_slice %arg6[%add3A_39, %dma_start3A] : memref<111x128xi32, #tpu.memory_space<vmem>> -> memref<1x128xi32, #tpu.memory_space<vmem>>
      %dma_start3A_41 = tpu.memref_squeeze %dma_start3A_40 : memref<1x128xi32, #tpu.memory_space<vmem>> -> memref<128xi32, #tpu.memory_space<vmem>>
      %dma_start3A_42 = arith.constant 0 : i32
      %dma_start3A_43 = arith.constant 0 : i32
      %dma_start3A_44 = tpu.memref_slice %arg2[%dma_start3A_42, %dma_start3A_43] : memref<10000x128xf32, #tpu.memory_space<hbm>> -> memref<10000x128xf32, #tpu.memory_space<hbm>>
      tpu.enqueue_indirect_dma source(%dma_start3A_44 : memref<10000x128xf32, #tpu.memory_space<hbm>>) target(%arg8 : memref<128x128xf32, #tpu.memory_space<vmem>>) offsets(%dma_start3A_41 : memref<128xi32, #tpu.memory_space<vmem>>) semaphore(%arg10 : memref<!tpu.dma_semaphore, #tpu.memory_space<semaphore_mem>>)
      %dma_wait3A = arith.constant 0 : i32
      %dma_wait3A_45 = tpu.memref_slice %arg6[%add3A_39, %dma_wait3A] : memref<111x128xi32, #tpu.memory_space<vmem>> -> memref<1x128xi32, #tpu.memory_space<vmem>>
      %dma_wait3A_46 = tpu.memref_squeeze %dma_wait3A_45 : memref<1x128xi32, #tpu.memory_space<vmem>> -> memref<128xi32, #tpu.memory_space<vmem>>
      %dma_wait3A_47 = arith.constant 0 : i32
      %dma_wait3A_48 = arith.constant 0 : i32
      %dma_wait3A_49 = tpu.memref_slice %arg2[%dma_wait3A_47, %dma_wait3A_48] : memref<10000x128xf32, #tpu.memory_space<hbm>> -> memref<10000x128xf32, #tpu.memory_space<hbm>>
      tpu.wait_indirect_dma semaphore(%arg10 : memref<!tpu.dma_semaphore, #tpu.memory_space<semaphore_mem>>) src(%dma_wait3A_49 : memref<10000x128xf32, #tpu.memory_space<hbm>>) dst(%arg8 : memref<128x128xf32, #tpu.memory_space<vmem>>)
      "tpu.region"() ({
        %run_scoped3A = tpu.sem_alloc : memref<!tpu.dma_semaphore, #tpu.memory_space<semaphore_mem>>
        %dma_start3A_50 = arith.constant 0 : i32
        %dma_start3A_51 = tpu.memref_slice %arg7[%add3A_39, %dma_start3A_50] : memref<111x128xi32, #tpu.memory_space<vmem>> -> memref<1x128xi32, #tpu.memory_space<vmem>>
        %dma_start3A_52 = tpu.memref_squeeze %dma_start3A_51 : memref<1x128xi32, #tpu.memory_space<vmem>> -> memref<128xi32, #tpu.memory_space<vmem>>
        %dma_start3A_53 = arith.constant 0 : i32
        %dma_start3A_54 = arith.constant 0 : i32
        %dma_start3A_55 = tpu.memref_slice %arg9[%dma_start3A_53, %dma_start3A_54] : memref<10016x128xf32, #tpu.memory_space<vmem_shared>> -> memref<10016x128xf32, #tpu.memory_space<vmem_shared>>
        tpu.enqueue_indirect_dma source(%arg8 : memref<128x128xf32, #tpu.memory_space<vmem>>) target(%dma_start3A_55 : memref<10016x128xf32, #tpu.memory_space<vmem_shared>>) offsets(%dma_start3A_52 : memref<128xi32, #tpu.memory_space<vmem>>) semaphore(%run_scoped3A : memref<!tpu.dma_semaphore, #tpu.memory_space<semaphore_mem>>) {add = true}
        %dma_wait3A_56 = arith.constant 0 : i32
        %dma_wait3A_57 = tpu.memref_slice %arg7[%add3A_39, %dma_wait3A_56] : memref<111x128xi32, #tpu.memory_space<vmem>> -> memref<1x128xi32, #tpu.memory_space<vmem>>
        %dma_wait3A_58 = tpu.memref_squeeze %dma_wait3A_57 : memref<1x128xi32, #tpu.memory_space<vmem>> -> memref<128xi32, #tpu.memory_space<vmem>>
        %dma_wait3A_59 = arith.constant 0 : i32
        %dma_wait3A_60 = arith.constant 0 : i32
        %dma_wait3A_61 = tpu.memref_slice %arg9[%dma_wait3A_59, %dma_wait3A_60] : memref<10016x128xf32, #tpu.memory_space<vmem_shared>> -> memref<10016x128xf32, #tpu.memory_space<vmem_shared>>
        tpu.wait_indirect_dma semaphore(%run_scoped3A : memref<!tpu.dma_semaphore, #tpu.memory_space<semaphore_mem>>) src(%arg8 : memref<128x128xf32, #tpu.memory_space<vmem>>) dst(%dma_wait3A_61 : memref<10016x128xf32, #tpu.memory_space<vmem_shared>>)
        tpu.yield
      }) : () -> ()
    }
    %while3A_26 = arith.constant 1 : i32
    scf.for %while3A_37 = %while3A_24 to %while3A_20 step %while3A_26  : i32 {
      %mul3A_38 = arith.muli %while3A_37, %while3A : i32
      %add3A_39 = arith.addi %while3A_17, %mul3A_38 : i32
      %dma_start3A = arith.constant 0 : i32
      %dma_start3A_40 = tpu.memref_slice %arg6[%add3A_39, %dma_start3A] : memref<111x128xi32, #tpu.memory_space<vmem>> -> memref<1x128xi32, #tpu.memory_space<vmem>>
      %dma_start3A_41 = tpu.memref_squeeze %dma_start3A_40 : memref<1x128xi32, #tpu.memory_space<vmem>> -> memref<128xi32, #tpu.memory_space<vmem>>
      %dma_start3A_42 = arith.constant 0 : i32
      %dma_start3A_43 = arith.constant 0 : i32
      %dma_start3A_44 = tpu.memref_slice %arg2[%dma_start3A_42, %dma_start3A_43] : memref<10000x128xf32, #tpu.memory_space<hbm>> -> memref<10000x128xf32, #tpu.memory_space<hbm>>
      tpu.enqueue_indirect_dma source(%dma_start3A_44 : memref<10000x128xf32, #tpu.memory_space<hbm>>) target(%arg8 : memref<128x128xf32, #tpu.memory_space<vmem>>) offsets(%dma_start3A_41 : memref<128xi32, #tpu.memory_space<vmem>>) semaphore(%arg10 : memref<!tpu.dma_semaphore, #tpu.memory_space<semaphore_mem>>)
      %dma_wait3A = arith.constant 0 : i32
      %dma_wait3A_45 = tpu.memref_slice %arg6[%add3A_39, %dma_wait3A] : memref<111x128xi32, #tpu.memory_space<vmem>> -> memref<1x128xi32, #tpu.memory_space<vmem>>
      %dma_wait3A_46 = tpu.memref_squeeze %dma_wait3A_45 : memref<1x128xi32, #tpu.memory_space<vmem>> -> memref<128xi32, #tpu.memory_space<vmem>>
      %dma_wait3A_47 = arith.constant 0 : i32
      %dma_wait3A_48 = arith.constant 0 : i32
      %dma_wait3A_49 = tpu.memref_slice %arg2[%dma_wait3A_47, %dma_wait3A_48] : memref<10000x128xf32, #tpu.memory_space<hbm>> -> memref<10000x128xf32, #tpu.memory_space<hbm>>
      tpu.wait_indirect_dma semaphore(%arg10 : memref<!tpu.dma_semaphore, #tpu.memory_space<semaphore_mem>>) src(%dma_wait3A_49 : memref<10000x128xf32, #tpu.memory_space<hbm>>) dst(%arg8 : memref<128x128xf32, #tpu.memory_space<vmem>>)
      "tpu.region"() ({
        %run_scoped3A = tpu.sem_alloc : memref<!tpu.dma_semaphore, #tpu.memory_space<semaphore_mem>>
        %dma_start3A_50 = arith.constant 0 : i32
        %dma_start3A_51 = tpu.memref_slice %arg7[%add3A_39, %dma_start3A_50] : memref<111x128xi32, #tpu.memory_space<vmem>> -> memref<1x128xi32, #tpu.memory_space<vmem>>
        %dma_start3A_52 = tpu.memref_squeeze %dma_start3A_51 : memref<1x128xi32, #tpu.memory_space<vmem>> -> memref<128xi32, #tpu.memory_space<vmem>>
        %dma_start3A_53 = arith.constant 0 : i32
        %dma_start3A_54 = arith.constant 0 : i32
        %dma_start3A_55 = tpu.memref_slice %arg9[%dma_start3A_53, %dma_start3A_54] : memref<10016x128xf32, #tpu.memory_space<vmem_shared>> -> memref<10016x128xf32, #tpu.memory_space<vmem_shared>>
        tpu.enqueue_indirect_dma source(%arg8 : memref<128x128xf32, #tpu.memory_space<vmem>>) target(%dma_start3A_55 : memref<10016x128xf32, #tpu.memory_space<vmem_shared>>) offsets(%dma_start3A_52 : memref<128xi32, #tpu.memory_space<vmem>>) semaphore(%run_scoped3A : memref<!tpu.dma_semaphore, #tpu.memory_space<semaphore_mem>>) {add = true}
        %dma_wait3A_56 = arith.constant 0 : i32
        %dma_wait3A_57 = tpu.memref_slice %arg7[%add3A_39, %dma_wait3A_56] : memref<111x128xi32, #tpu.memory_space<vmem>> -> memref<1x128xi32, #tpu.memory_space<vmem>>
        %dma_wait3A_58 = tpu.memref_squeeze %dma_wait3A_57 : memref<1x128xi32, #tpu.memory_space<vmem>> -> memref<128xi32, #tpu.memory_space<vmem>>
        %dma_wait3A_59 = arith.constant 0 : i32
        %dma_wait3A_60 = arith.constant 0 : i32
        %dma_wait3A_61 = tpu.memref_slice %arg9[%dma_wait3A_59, %dma_wait3A_60] : memref<10016x128xf32, #tpu.memory_space<vmem_shared>> -> memref<10016x128xf32, #tpu.memory_space<vmem_shared>>
        tpu.wait_indirect_dma semaphore(%run_scoped3A : memref<!tpu.dma_semaphore, #tpu.memory_space<semaphore_mem>>) src(%arg8 : memref<128x128xf32, #tpu.memory_space<vmem>>) dst(%dma_wait3A_61 : memref<10016x128xf32, #tpu.memory_space<vmem_shared>>)
        tpu.yield
      }) : () -> ()
    }
    %barrier3A_27 = arith.constant 0 : index
    tpu.barrier barrier_id(%barrier3A_27)
    %mul3A_28 = arith.constant 624 : i32
    %mul3A_29 = arith.muli %arg1, %mul3A_28 : i32
    %mul3A_30 = arith.constant 624 : i32
    %mul3A_31 = arith.muli %arg1, %mul3A_30 : i32
    "tpu.region"() ({
      %run_scoped3A = tpu.sem_alloc : memref<!tpu.dma_semaphore, #tpu.memory_space<semaphore_mem>>
      %dma_start3A = arith.constant 0 : i32
      %dma_start3A_37 = tpu.memref_slice %arg5[%arg0, %mul3A_31, %dma_start3A] : memref<2x10000x128xf32, #tpu.memory_space<hbm>> -> memref<1x624x128xf32, #tpu.memory_space<hbm>>
      %dma_start3A_38 = tpu.memref_squeeze %dma_start3A_37 : memref<1x624x128xf32, #tpu.memory_space<hbm>> -> memref<624x128xf32, #tpu.memory_space<hbm>>
      %dma_start3A_39 = arith.constant 0 : i32
      %dma_start3A_40 = tpu.memref_slice %arg9[%mul3A_29, %dma_start3A_39] : memref<10016x128xf32, #tpu.memory_space<vmem_shared>> -> memref<624x128xf32, #tpu.memory_space<vmem_shared>>
      tpu.enqueue_dma source(%dma_start3A_40 : memref<624x128xf32, #tpu.memory_space<vmem_shared>>) target(%dma_start3A_38 : memref<624x128xf32, #tpu.memory_space<hbm>>) target_semaphore(%run_scoped3A : memref<!tpu.dma_semaphore, #tpu.memory_space<semaphore_mem>>)
      %dma_wait3A = arith.constant 0 : i32
      %dma_wait3A_41 = tpu.memref_slice %arg5[%arg0, %mul3A_31, %dma_wait3A] : memref<2x10000x128xf32, #tpu.memory_space<hbm>> -> memref<1x624x128xf32, #tpu.memory_space<hbm>>
      %dma_wait3A_42 = tpu.memref_squeeze %dma_wait3A_41 : memref<1x624x128xf32, #tpu.memory_space<hbm>> -> memref<624x128xf32, #tpu.memory_space<hbm>>
      %dma_wait3A_43 = arith.constant 0 : i32
      %dma_wait3A_44 = tpu.memref_slice %arg9[%mul3A_29, %dma_wait3A_43] : memref<10016x128xf32, #tpu.memory_space<vmem_shared>> -> memref<624x128xf32, #tpu.memory_space<vmem_shared>>
      tpu.wait_dma2 semaphore(%run_scoped3A : memref<!tpu.dma_semaphore, #tpu.memory_space<semaphore_mem>>) src(%dma_wait3A_44 : memref<624x128xf32, #tpu.memory_space<vmem_shared>>) dst(%dma_wait3A_42 : memref<624x128xf32, #tpu.memory_space<hbm>>)
      tpu.yield
    }) : () -> ()
    %eq3A_32 = arith.constant 15 : i32
    %eq3A_33 = arith.cmpi eq, %arg1, %eq3A_32 : i32
    %convert_element_type3A_34 = arith.extui %eq3A_33 : i1 to i32
    %cond3A_35 = arith.constant 0 : i32
    %cond3A_36 = arith.cmpi ne, %convert_element_type3A_34, %cond3A_35 : i32
    scf.if %cond3A_36 {
      "tpu.region"() ({
        %run_scoped3A = tpu.sem_alloc : memref<!tpu.dma_semaphore, #tpu.memory_space<semaphore_mem>>
        %dma_start3A = arith.constant 9984 : i32
        %dma_start3A_37 = arith.constant 0 : i32
        %dma_start3A_38 = tpu.memref_slice %arg5[%arg0, %dma_start3A, %dma_start3A_37] : memref<2x10000x128xf32, #tpu.memory_space<hbm>> -> memref<1x16x128xf32, #tpu.memory_space<hbm>>
        %dma_start3A_39 = tpu.memref_squeeze %dma_start3A_38 : memref<1x16x128xf32, #tpu.memory_space<hbm>> -> memref<16x128xf32, #tpu.memory_space<hbm>>
        %dma_start3A_40 = arith.constant 9984 : i32
        %dma_start3A_41 = arith.constant 0 : i32
        %dma_start3A_42 = tpu.memref_slice %arg9[%dma_start3A_40, %dma_start3A_41] : memref<10016x128xf32, #tpu.memory_space<vmem_shared>> -> memref<16x128xf32, #tpu.memory_space<vmem_shared>>
        tpu.enqueue_dma source(%dma_start3A_42 : memref<16x128xf32, #tpu.memory_space<vmem_shared>>) target(%dma_start3A_39 : memref<16x128xf32, #tpu.memory_space<hbm>>) target_semaphore(%run_scoped3A : memref<!tpu.dma_semaphore, #tpu.memory_space<semaphore_mem>>)
        %dma_wait3A = arith.constant 9984 : i32
        %dma_wait3A_43 = arith.constant 0 : i32
        %dma_wait3A_44 = tpu.memref_slice %arg5[%arg0, %dma_wait3A, %dma_wait3A_43] : memref<2x10000x128xf32, #tpu.memory_space<hbm>> -> memref<1x16x128xf32, #tpu.memory_space<hbm>>
        %dma_wait3A_45 = tpu.memref_squeeze %dma_wait3A_44 : memref<1x16x128xf32, #tpu.memory_space<hbm>> -> memref<16x128xf32, #tpu.memory_space<hbm>>
        %dma_wait3A_46 = arith.constant 9984 : i32
        %dma_wait3A_47 = arith.constant 0 : i32
        %dma_wait3A_48 = tpu.memref_slice %arg9[%dma_wait3A_46, %dma_wait3A_47] : memref<10016x128xf32, #tpu.memory_space<vmem_shared>> -> memref<16x128xf32, #tpu.memory_space<vmem_shared>>
        tpu.wait_dma2 semaphore(%run_scoped3A : memref<!tpu.dma_semaphore, #tpu.memory_space<semaphore_mem>>) src(%dma_wait3A_48 : memref<16x128xf32, #tpu.memory_space<vmem_shared>>) dst(%dma_wait3A_45 : memref<16x128xf32, #tpu.memory_space<hbm>>)
        tpu.yield
      }) : () -> ()
    } else {
    }
    return
  }
}

#map = affine_map<(d0, d1) -> (0, 0)>
#map1 = affine_map<(d0, d1) -> (0, 0, 0)>
module attributes {stable_mosaic.version = 14 : i64} {
  func.func @agg_kernel(%arg0: i32, %arg1: i32, %arg2: memref<10000x128xf32, #tpu.memory_space<hbm>>, %arg3: memref<32x111x128xi32, #tpu.memory_space<hbm>>, %arg4: memref<32x111x128xi32, #tpu.memory_space<hbm>>, %arg5: memref<2x10000x128xf32, #tpu.memory_space<hbm>>, %arg6: memref<111x128xi32, #tpu.memory_space<vmem>>, %arg7: memref<111x128xi32, #tpu.memory_space<vmem>>, %arg8: memref<128x128xf32, #tpu.memory_space<vmem>>, %arg9: memref<10016x128xf32, #tpu.memory_space<vmem_shared>>, %arg10: memref<!tpu.dma_semaphore, #tpu.memory_space<semaphore_mem>>) attributes {dimension_semantics = [#tpu.dimension_semantics<core_parallel>, #tpu.dimension_semantics<subcore_parallel>], iteration_bounds = array<i64: 2, 16>, scalar_prefetch = 0 : i64, scratch_operands = 5 : i64, tpu.core_type = #tpu.core_type<sc_vector_subcore>, window_params = [{transform_indices = #map}, {transform_indices = #map1}, {transform_indices = #map1}, {transform_indices = #map1}]} {
    %mul3A = arith.constant 624 : i32
    %mul3A_0 = arith.muli %arg1, %mul3A : i32
    %mul3A_1 = arith.constant 624 : i32
    %mul3A_2 = arith.muli %arg1, %mul3A_1 : i32
    "tpu.region"() ({
      %run_scoped3A = tpu.sem_alloc : memref<!tpu.dma_semaphore, #tpu.memory_space<semaphore_mem>>
      %dma_start3A = arith.constant 0 : i32
      %dma_start3A_37 = tpu.memref_slice %arg9[%mul3A_2, %dma_start3A] : memref<10016x128xf32, #tpu.memory_space<vmem_shared>> -> memref<624x128xf32, #tpu.memory_space<vmem_shared>>
      %dma_start3A_38 = arith.constant 0 : i32
      %dma_start3A_39 = tpu.memref_slice %arg2[%mul3A_0, %dma_start3A_38] : memref<10000x128xf32, #tpu.memory_space<hbm>> -> memref<624x128xf32, #tpu.memory_space<hbm>>
      tpu.enqueue_dma source(%dma_start3A_39 : memref<624x128xf32, #tpu.memory_space<hbm>>) target(%dma_start3A_37 : memref<624x128xf32, #tpu.memory_space<vmem_shared>>) target_semaphore(%run_scoped3A : memref<!tpu.dma_semaphore, #tpu.memory_space<semaphore_mem>>)
      %dma_wait3A = arith.constant 0 : i32
      %dma_wait3A_40 = tpu.memref_slice %arg9[%mul3A_2, %dma_wait3A] : memref<10016x128xf32, #tpu.memory_space<vmem_shared>> -> memref<624x128xf32, #tpu.memory_space<vmem_shared>>
      %dma_wait3A_41 = arith.constant 0 : i32
      %dma_wait3A_42 = tpu.memref_slice %arg2[%mul3A_0, %dma_wait3A_41] : memref<10000x128xf32, #tpu.memory_space<hbm>> -> memref<624x128xf32, #tpu.memory_space<hbm>>
      tpu.wait_dma2 semaphore(%run_scoped3A : memref<!tpu.dma_semaphore, #tpu.memory_space<semaphore_mem>>) src(%dma_wait3A_42 : memref<624x128xf32, #tpu.memory_space<hbm>>) dst(%dma_wait3A_40 : memref<624x128xf32, #tpu.memory_space<vmem_shared>>)
      tpu.yield
    }) : () -> ()
    %eq3A = arith.constant 15 : i32
    %eq3A_3 = arith.cmpi eq, %arg1, %eq3A : i32
    %convert_element_type3A = arith.extui %eq3A_3 : i1 to i32
    %cond3A = arith.constant 0 : i32
    %cond3A_4 = arith.cmpi ne, %convert_element_type3A, %cond3A : i32
    scf.if %cond3A_4 {
      "tpu.region"() ({
        %run_scoped3A = tpu.sem_alloc : memref<!tpu.dma_semaphore, #tpu.memory_space<semaphore_mem>>
        %dma_start3A = arith.constant 9984 : i32
        %dma_start3A_37 = arith.constant 0 : i32
        %dma_start3A_38 = tpu.memref_slice %arg9[%dma_start3A, %dma_start3A_37] : memref<10016x128xf32, #tpu.memory_space<vmem_shared>> -> memref<16x128xf32, #tpu.memory_space<vmem_shared>>
        %dma_start3A_39 = arith.constant 9984 : i32
        %dma_start3A_40 = arith.constant 0 : i32
        %dma_start3A_41 = tpu.memref_slice %arg2[%dma_start3A_39, %dma_start3A_40] : memref<10000x128xf32, #tpu.memory_space<hbm>> -> memref<16x128xf32, #tpu.memory_space<hbm>>
        tpu.enqueue_dma source(%dma_start3A_41 : memref<16x128xf32, #tpu.memory_space<hbm>>) target(%dma_start3A_38 : memref<16x128xf32, #tpu.memory_space<vmem_shared>>) target_semaphore(%run_scoped3A : memref<!tpu.dma_semaphore, #tpu.memory_space<semaphore_mem>>)
        %dma_wait3A = arith.constant 9984 : i32
        %dma_wait3A_42 = arith.constant 0 : i32
        %dma_wait3A_43 = tpu.memref_slice %arg9[%dma_wait3A, %dma_wait3A_42] : memref<10016x128xf32, #tpu.memory_space<vmem_shared>> -> memref<16x128xf32, #tpu.memory_space<vmem_shared>>
        %dma_wait3A_44 = arith.constant 9984 : i32
        %dma_wait3A_45 = arith.constant 0 : i32
        %dma_wait3A_46 = tpu.memref_slice %arg2[%dma_wait3A_44, %dma_wait3A_45] : memref<10000x128xf32, #tpu.memory_space<hbm>> -> memref<16x128xf32, #tpu.memory_space<hbm>>
        tpu.wait_dma2 semaphore(%run_scoped3A : memref<!tpu.dma_semaphore, #tpu.memory_space<semaphore_mem>>) src(%dma_wait3A_46 : memref<16x128xf32, #tpu.memory_space<hbm>>) dst(%dma_wait3A_43 : memref<16x128xf32, #tpu.memory_space<vmem_shared>>)
        tpu.yield
      }) : () -> ()
    } else {
    }
    %barrier3A = arith.constant 0 : index
    tpu.barrier barrier_id(%barrier3A)
    %mul3A_5 = arith.constant 16 : i32
    %mul3A_6 = arith.muli %arg0, %mul3A_5 : i32
    %add3A = arith.addi %mul3A_6, %arg1 : i32
    "tpu.region"() ({
      %run_scoped3A = tpu.sem_alloc : memref<!tpu.dma_semaphore, #tpu.memory_space<semaphore_mem>>
      %dma_start3A = arith.constant 0 : i32
      %dma_start3A_37 = arith.constant 0 : i32
      %dma_start3A_38 = tpu.memref_slice %arg3[%add3A, %dma_start3A, %dma_start3A_37] : memref<32x111x128xi32, #tpu.memory_space<hbm>> -> memref<1x111x128xi32, #tpu.memory_space<hbm>>
      %dma_start3A_39 = tpu.memref_squeeze %dma_start3A_38 : memref<1x111x128xi32, #tpu.memory_space<hbm>> -> memref<111x128xi32, #tpu.memory_space<hbm>>
      %dma_start3A_40 = arith.constant 0 : i32
      %dma_start3A_41 = arith.constant 0 : i32
      %dma_start3A_42 = tpu.memref_slice %arg3[%add3A, %dma_start3A_40, %dma_start3A_41] : memref<32x111x128xi32, #tpu.memory_space<hbm>> -> memref<1x111x128xi32, #tpu.memory_space<hbm>>
      %dma_start3A_43 = tpu.memref_squeeze %dma_start3A_42 : memref<1x111x128xi32, #tpu.memory_space<hbm>> -> memref<111x128xi32, #tpu.memory_space<hbm>>
      tpu.enqueue_dma source(%dma_start3A_43 : memref<111x128xi32, #tpu.memory_space<hbm>>) target(%arg6 : memref<111x128xi32, #tpu.memory_space<vmem>>) target_semaphore(%run_scoped3A : memref<!tpu.dma_semaphore, #tpu.memory_space<semaphore_mem>>)
      %dma_wait3A = arith.constant 0 : i32
      %dma_wait3A_44 = arith.constant 0 : i32
      %dma_wait3A_45 = tpu.memref_slice %arg3[%add3A, %dma_wait3A, %dma_wait3A_44] : memref<32x111x128xi32, #tpu.memory_space<hbm>> -> memref<1x111x128xi32, #tpu.memory_space<hbm>>
      %dma_wait3A_46 = tpu.memref_squeeze %dma_wait3A_45 : memref<1x111x128xi32, #tpu.memory_space<hbm>> -> memref<111x128xi32, #tpu.memory_space<hbm>>
      %dma_wait3A_47 = arith.constant 0 : i32
      %dma_wait3A_48 = arith.constant 0 : i32
      %dma_wait3A_49 = tpu.memref_slice %arg3[%add3A, %dma_wait3A_47, %dma_wait3A_48] : memref<32x111x128xi32, #tpu.memory_space<hbm>> -> memref<1x111x128xi32, #tpu.memory_space<hbm>>
      %dma_wait3A_50 = tpu.memref_squeeze %dma_wait3A_49 : memref<1x111x128xi32, #tpu.memory_space<hbm>> -> memref<111x128xi32, #tpu.memory_space<hbm>>
      tpu.wait_dma2 semaphore(%run_scoped3A : memref<!tpu.dma_semaphore, #tpu.memory_space<semaphore_mem>>) src(%dma_wait3A_50 : memref<111x128xi32, #tpu.memory_space<hbm>>) dst(%arg6 : memref<111x128xi32, #tpu.memory_space<vmem>>)
      tpu.yield
    }) : () -> ()
    "tpu.region"() ({
      %run_scoped3A = tpu.sem_alloc : memref<!tpu.dma_semaphore, #tpu.memory_space<semaphore_mem>>
      %dma_start3A = arith.constant 0 : i32
      %dma_start3A_37 = arith.constant 0 : i32
      %dma_start3A_38 = tpu.memref_slice %arg4[%add3A, %dma_start3A, %dma_start3A_37] : memref<32x111x128xi32, #tpu.memory_space<hbm>> -> memref<1x111x128xi32, #tpu.memory_space<hbm>>
      %dma_start3A_39 = tpu.memref_squeeze %dma_start3A_38 : memref<1x111x128xi32, #tpu.memory_space<hbm>> -> memref<111x128xi32, #tpu.memory_space<hbm>>
      %dma_start3A_40 = arith.constant 0 : i32
      %dma_start3A_41 = arith.constant 0 : i32
      %dma_start3A_42 = tpu.memref_slice %arg4[%add3A, %dma_start3A_40, %dma_start3A_41] : memref<32x111x128xi32, #tpu.memory_space<hbm>> -> memref<1x111x128xi32, #tpu.memory_space<hbm>>
      %dma_start3A_43 = tpu.memref_squeeze %dma_start3A_42 : memref<1x111x128xi32, #tpu.memory_space<hbm>> -> memref<111x128xi32, #tpu.memory_space<hbm>>
      tpu.enqueue_dma source(%dma_start3A_43 : memref<111x128xi32, #tpu.memory_space<hbm>>) target(%arg7 : memref<111x128xi32, #tpu.memory_space<vmem>>) target_semaphore(%run_scoped3A : memref<!tpu.dma_semaphore, #tpu.memory_space<semaphore_mem>>)
      %dma_wait3A = arith.constant 0 : i32
      %dma_wait3A_44 = arith.constant 0 : i32
      %dma_wait3A_45 = tpu.memref_slice %arg4[%add3A, %dma_wait3A, %dma_wait3A_44] : memref<32x111x128xi32, #tpu.memory_space<hbm>> -> memref<1x111x128xi32, #tpu.memory_space<hbm>>
      %dma_wait3A_46 = tpu.memref_squeeze %dma_wait3A_45 : memref<1x111x128xi32, #tpu.memory_space<hbm>> -> memref<111x128xi32, #tpu.memory_space<hbm>>
      %dma_wait3A_47 = arith.constant 0 : i32
      %dma_wait3A_48 = arith.constant 0 : i32
      %dma_wait3A_49 = tpu.memref_slice %arg4[%add3A, %dma_wait3A_47, %dma_wait3A_48] : memref<32x111x128xi32, #tpu.memory_space<hbm>> -> memref<1x111x128xi32, #tpu.memory_space<hbm>>
      %dma_wait3A_50 = tpu.memref_squeeze %dma_wait3A_49 : memref<1x111x128xi32, #tpu.memory_space<hbm>> -> memref<111x128xi32, #tpu.memory_space<hbm>>
      tpu.wait_dma2 semaphore(%run_scoped3A : memref<!tpu.dma_semaphore, #tpu.memory_space<semaphore_mem>>) src(%dma_wait3A_50 : memref<111x128xi32, #tpu.memory_space<hbm>>) dst(%arg7 : memref<111x128xi32, #tpu.memory_space<vmem>>)
      tpu.yield
    }) : () -> ()
    %eq3A_7 = arith.constant 1 : i32
    %eq3A_8 = arith.cmpi eq, %arg0, %eq3A_7 : i32
    %select_n3A = arith.constant 111 : i32
    %select_n3A_9 = arith.constant 47 : i32
    %select_n3A_10 = arith.select %eq3A_8, %select_n3A_9, %select_n3A : i32
    %sub3A = arith.constant 0 : i32
    %sub3A_11 = arith.subi %select_n3A_10, %sub3A : i32
    %sub3A_12 = arith.constant 1 : i32
    %sub3A_13 = arith.constant 1 : i32
    %sub3A_14 = arith.subi %sub3A_12, %sub3A_13 : i32
    %add3A_15 = arith.addi %sub3A_11, %sub3A_14 : i32
    %div3A = arith.constant 1 : i32
    %div3A_16 = arith.divsi %add3A_15, %div3A : i32
    %while3A = arith.constant 1 : i32
    %while3A_17 = arith.constant 0 : i32
    %while3A_18 = arith.constant 0 : i32
    %while3A_19 = arith.subi %div3A_16, %while3A_18 : i32
    %while3A_20 = arith.addi %while3A_18, %while3A_19 : i32
    %while3A_21 = arith.constant 1 : i32
    %while3A_22 = arith.divsi %while3A_19, %while3A_21 : i32
    %while3A_23 = arith.muli %while3A_22, %while3A_21 : i32
    %while3A_24 = arith.addi %while3A_18, %while3A_23 : i32
    %while3A_25 = arith.constant 1 : i32
    scf.for %while3A_37 = %while3A_18 to %while3A_24 step %while3A_25  : i32 {
      %mul3A_38 = arith.muli %while3A_37, %while3A : i32
      %add3A_39 = arith.addi %while3A_17, %mul3A_38 : i32
      %dma_start3A = arith.constant 0 : i32
      %dma_start3A_40 = tpu.memref_slice %arg6[%add3A_39, %dma_start3A] : memref<111x128xi32, #tpu.memory_space<vmem>> -> memref<1x128xi32, #tpu.memory_space<vmem>>
      %dma_start3A_41 = tpu.memref_squeeze %dma_start3A_40 : memref<1x128xi32, #tpu.memory_space<vmem>> -> memref<128xi32, #tpu.memory_space<vmem>>
      %dma_start3A_42 = arith.constant 0 : i32
      %dma_start3A_43 = arith.constant 0 : i32
      %dma_start3A_44 = tpu.memref_slice %arg2[%dma_start3A_42, %dma_start3A_43] : memref<10000x128xf32, #tpu.memory_space<hbm>> -> memref<10000x128xf32, #tpu.memory_space<hbm>>
      tpu.enqueue_indirect_dma source(%dma_start3A_44 : memref<10000x128xf32, #tpu.memory_space<hbm>>) target(%arg8 : memref<128x128xf32, #tpu.memory_space<vmem>>) offsets(%dma_start3A_41 : memref<128xi32, #tpu.memory_space<vmem>>) semaphore(%arg10 : memref<!tpu.dma_semaphore, #tpu.memory_space<semaphore_mem>>)
      %dma_wait3A = arith.constant 0 : i32
      %dma_wait3A_45 = tpu.memref_slice %arg6[%add3A_39, %dma_wait3A] : memref<111x128xi32, #tpu.memory_space<vmem>> -> memref<1x128xi32, #tpu.memory_space<vmem>>
      %dma_wait3A_46 = tpu.memref_squeeze %dma_wait3A_45 : memref<1x128xi32, #tpu.memory_space<vmem>> -> memref<128xi32, #tpu.memory_space<vmem>>
      %dma_wait3A_47 = arith.constant 0 : i32
      %dma_wait3A_48 = arith.constant 0 : i32
      %dma_wait3A_49 = tpu.memref_slice %arg2[%dma_wait3A_47, %dma_wait3A_48] : memref<10000x128xf32, #tpu.memory_space<hbm>> -> memref<10000x128xf32, #tpu.memory_space<hbm>>
      tpu.wait_indirect_dma semaphore(%arg10 : memref<!tpu.dma_semaphore, #tpu.memory_space<semaphore_mem>>) src(%dma_wait3A_49 : memref<10000x128xf32, #tpu.memory_space<hbm>>) dst(%arg8 : memref<128x128xf32, #tpu.memory_space<vmem>>)
      "tpu.region"() ({
        %run_scoped3A = tpu.sem_alloc : memref<!tpu.dma_semaphore, #tpu.memory_space<semaphore_mem>>
        %dma_start3A_50 = arith.constant 0 : i32
        %dma_start3A_51 = tpu.memref_slice %arg7[%add3A_39, %dma_start3A_50] : memref<111x128xi32, #tpu.memory_space<vmem>> -> memref<1x128xi32, #tpu.memory_space<vmem>>
        %dma_start3A_52 = tpu.memref_squeeze %dma_start3A_51 : memref<1x128xi32, #tpu.memory_space<vmem>> -> memref<128xi32, #tpu.memory_space<vmem>>
        %dma_start3A_53 = arith.constant 0 : i32
        %dma_start3A_54 = arith.constant 0 : i32
        %dma_start3A_55 = tpu.memref_slice %arg9[%dma_start3A_53, %dma_start3A_54] : memref<10016x128xf32, #tpu.memory_space<vmem_shared>> -> memref<10016x128xf32, #tpu.memory_space<vmem_shared>>
        tpu.enqueue_indirect_dma source(%arg8 : memref<128x128xf32, #tpu.memory_space<vmem>>) target(%dma_start3A_55 : memref<10016x128xf32, #tpu.memory_space<vmem_shared>>) offsets(%dma_start3A_52 : memref<128xi32, #tpu.memory_space<vmem>>) semaphore(%run_scoped3A : memref<!tpu.dma_semaphore, #tpu.memory_space<semaphore_mem>>) {add = true}
        %dma_wait3A_56 = arith.constant 0 : i32
        %dma_wait3A_57 = tpu.memref_slice %arg7[%add3A_39, %dma_wait3A_56] : memref<111x128xi32, #tpu.memory_space<vmem>> -> memref<1x128xi32, #tpu.memory_space<vmem>>
        %dma_wait3A_58 = tpu.memref_squeeze %dma_wait3A_57 : memref<1x128xi32, #tpu.memory_space<vmem>> -> memref<128xi32, #tpu.memory_space<vmem>>
        %dma_wait3A_59 = arith.constant 0 : i32
        %dma_wait3A_60 = arith.constant 0 : i32
        %dma_wait3A_61 = tpu.memref_slice %arg9[%dma_wait3A_59, %dma_wait3A_60] : memref<10016x128xf32, #tpu.memory_space<vmem_shared>> -> memref<10016x128xf32, #tpu.memory_space<vmem_shared>>
        tpu.wait_indirect_dma semaphore(%run_scoped3A : memref<!tpu.dma_semaphore, #tpu.memory_space<semaphore_mem>>) src(%arg8 : memref<128x128xf32, #tpu.memory_space<vmem>>) dst(%dma_wait3A_61 : memref<10016x128xf32, #tpu.memory_space<vmem_shared>>)
        tpu.yield
      }) : () -> ()
    }
    %while3A_26 = arith.constant 1 : i32
    scf.for %while3A_37 = %while3A_24 to %while3A_20 step %while3A_26  : i32 {
      %mul3A_38 = arith.muli %while3A_37, %while3A : i32
      %add3A_39 = arith.addi %while3A_17, %mul3A_38 : i32
      %dma_start3A = arith.constant 0 : i32
      %dma_start3A_40 = tpu.memref_slice %arg6[%add3A_39, %dma_start3A] : memref<111x128xi32, #tpu.memory_space<vmem>> -> memref<1x128xi32, #tpu.memory_space<vmem>>
      %dma_start3A_41 = tpu.memref_squeeze %dma_start3A_40 : memref<1x128xi32, #tpu.memory_space<vmem>> -> memref<128xi32, #tpu.memory_space<vmem>>
      %dma_start3A_42 = arith.constant 0 : i32
      %dma_start3A_43 = arith.constant 0 : i32
      %dma_start3A_44 = tpu.memref_slice %arg2[%dma_start3A_42, %dma_start3A_43] : memref<10000x128xf32, #tpu.memory_space<hbm>> -> memref<10000x128xf32, #tpu.memory_space<hbm>>
      tpu.enqueue_indirect_dma source(%dma_start3A_44 : memref<10000x128xf32, #tpu.memory_space<hbm>>) target(%arg8 : memref<128x128xf32, #tpu.memory_space<vmem>>) offsets(%dma_start3A_41 : memref<128xi32, #tpu.memory_space<vmem>>) semaphore(%arg10 : memref<!tpu.dma_semaphore, #tpu.memory_space<semaphore_mem>>)
      %dma_wait3A = arith.constant 0 : i32
      %dma_wait3A_45 = tpu.memref_slice %arg6[%add3A_39, %dma_wait3A] : memref<111x128xi32, #tpu.memory_space<vmem>> -> memref<1x128xi32, #tpu.memory_space<vmem>>
      %dma_wait3A_46 = tpu.memref_squeeze %dma_wait3A_45 : memref<1x128xi32, #tpu.memory_space<vmem>> -> memref<128xi32, #tpu.memory_space<vmem>>
      %dma_wait3A_47 = arith.constant 0 : i32
      %dma_wait3A_48 = arith.constant 0 : i32
      %dma_wait3A_49 = tpu.memref_slice %arg2[%dma_wait3A_47, %dma_wait3A_48] : memref<10000x128xf32, #tpu.memory_space<hbm>> -> memref<10000x128xf32, #tpu.memory_space<hbm>>
      tpu.wait_indirect_dma semaphore(%arg10 : memref<!tpu.dma_semaphore, #tpu.memory_space<semaphore_mem>>) src(%dma_wait3A_49 : memref<10000x128xf32, #tpu.memory_space<hbm>>) dst(%arg8 : memref<128x128xf32, #tpu.memory_space<vmem>>)
      "tpu.region"() ({
        %run_scoped3A = tpu.sem_alloc : memref<!tpu.dma_semaphore, #tpu.memory_space<semaphore_mem>>
        %dma_start3A_50 = arith.constant 0 : i32
        %dma_start3A_51 = tpu.memref_slice %arg7[%add3A_39, %dma_start3A_50] : memref<111x128xi32, #tpu.memory_space<vmem>> -> memref<1x128xi32, #tpu.memory_space<vmem>>
        %dma_start3A_52 = tpu.memref_squeeze %dma_start3A_51 : memref<1x128xi32, #tpu.memory_space<vmem>> -> memref<128xi32, #tpu.memory_space<vmem>>
        %dma_start3A_53 = arith.constant 0 : i32
        %dma_start3A_54 = arith.constant 0 : i32
        %dma_start3A_55 = tpu.memref_slice %arg9[%dma_start3A_53, %dma_start3A_54] : memref<10016x128xf32, #tpu.memory_space<vmem_shared>> -> memref<10016x128xf32, #tpu.memory_space<vmem_shared>>
        tpu.enqueue_indirect_dma source(%arg8 : memref<128x128xf32, #tpu.memory_space<vmem>>) target(%dma_start3A_55 : memref<10016x128xf32, #tpu.memory_space<vmem_shared>>) offsets(%dma_start3A_52 : memref<128xi32, #tpu.memory_space<vmem>>) semaphore(%run_scoped3A : memref<!tpu.dma_semaphore, #tpu.memory_space<semaphore_mem>>) {add = true}
        %dma_wait3A_56 = arith.constant 0 : i32
        %dma_wait3A_57 = tpu.memref_slice %arg7[%add3A_39, %dma_wait3A_56] : memref<111x128xi32, #tpu.memory_space<vmem>> -> memref<1x128xi32, #tpu.memory_space<vmem>>
        %dma_wait3A_58 = tpu.memref_squeeze %dma_wait3A_57 : memref<1x128xi32, #tpu.memory_space<vmem>> -> memref<128xi32, #tpu.memory_space<vmem>>
        %dma_wait3A_59 = arith.constant 0 : i32
        %dma_wait3A_60 = arith.constant 0 : i32
        %dma_wait3A_61 = tpu.memref_slice %arg9[%dma_wait3A_59, %dma_wait3A_60] : memref<10016x128xf32, #tpu.memory_space<vmem_shared>> -> memref<10016x128xf32, #tpu.memory_space<vmem_shared>>
        tpu.wait_indirect_dma semaphore(%run_scoped3A : memref<!tpu.dma_semaphore, #tpu.memory_space<semaphore_mem>>) src(%arg8 : memref<128x128xf32, #tpu.memory_space<vmem>>) dst(%dma_wait3A_61 : memref<10016x128xf32, #tpu.memory_space<vmem_shared>>)
        tpu.yield
      }) : () -> ()
    }
    %barrier3A_27 = arith.constant 0 : index
    tpu.barrier barrier_id(%barrier3A_27)
    %mul3A_28 = arith.constant 624 : i32
    %mul3A_29 = arith.muli %arg1, %mul3A_28 : i32
    %mul3A_30 = arith.constant 624 : i32
    %mul3A_31 = arith.muli %arg1, %mul3A_30 : i32
    "tpu.region"() ({
      %run_scoped3A = tpu.sem_alloc : memref<!tpu.dma_semaphore, #tpu.memory_space<semaphore_mem>>
      %dma_start3A = arith.constant 0 : i32
      %dma_start3A_37 = tpu.memref_slice %arg5[%arg0, %mul3A_31, %dma_start3A] : memref<2x10000x128xf32, #tpu.memory_space<hbm>> -> memref<1x624x128xf32, #tpu.memory_space<hbm>>
      %dma_start3A_38 = tpu.memref_squeeze %dma_start3A_37 : memref<1x624x128xf32, #tpu.memory_space<hbm>> -> memref<624x128xf32, #tpu.memory_space<hbm>>
      %dma_start3A_39 = arith.constant 0 : i32
      %dma_start3A_40 = tpu.memref_slice %arg9[%mul3A_29, %dma_start3A_39] : memref<10016x128xf32, #tpu.memory_space<vmem_shared>> -> memref<624x128xf32, #tpu.memory_space<vmem_shared>>
      tpu.enqueue_dma source(%dma_start3A_40 : memref<624x128xf32, #tpu.memory_space<vmem_shared>>) target(%dma_start3A_38 : memref<624x128xf32, #tpu.memory_space<hbm>>) target_semaphore(%run_scoped3A : memref<!tpu.dma_semaphore, #tpu.memory_space<semaphore_mem>>)
      %dma_wait3A = arith.constant 0 : i32
      %dma_wait3A_41 = tpu.memref_slice %arg5[%arg0, %mul3A_31, %dma_wait3A] : memref<2x10000x128xf32, #tpu.memory_space<hbm>> -> memref<1x624x128xf32, #tpu.memory_space<hbm>>
      %dma_wait3A_42 = tpu.memref_squeeze %dma_wait3A_41 : memref<1x624x128xf32, #tpu.memory_space<hbm>> -> memref<624x128xf32, #tpu.memory_space<hbm>>
      %dma_wait3A_43 = arith.constant 0 : i32
      %dma_wait3A_44 = tpu.memref_slice %arg9[%mul3A_29, %dma_wait3A_43] : memref<10016x128xf32, #tpu.memory_space<vmem_shared>> -> memref<624x128xf32, #tpu.memory_space<vmem_shared>>
      tpu.wait_dma2 semaphore(%run_scoped3A : memref<!tpu.dma_semaphore, #tpu.memory_space<semaphore_mem>>) src(%dma_wait3A_44 : memref<624x128xf32, #tpu.memory_space<vmem_shared>>) dst(%dma_wait3A_42 : memref<624x128xf32, #tpu.memory_space<hbm>>)
      tpu.yield
    }) : () -> ()
    %eq3A_32 = arith.constant 15 : i32
    %eq3A_33 = arith.cmpi eq, %arg1, %eq3A_32 : i32
    %convert_element_type3A_34 = arith.extui %eq3A_33 : i1 to i32
    %cond3A_35 = arith.constant 0 : i32
    %cond3A_36 = arith.cmpi ne, %convert_element_type3A_34, %cond3A_35 : i32
    scf.if %cond3A_36 {
      "tpu.region"() ({
        %run_scoped3A = tpu.sem_alloc : memref<!tpu.dma_semaphore, #tpu.memory_space<semaphore_mem>>
        %dma_start3A = arith.constant 9984 : i32
        %dma_start3A_37 = arith.constant 0 : i32
        %dma_start3A_38 = tpu.memref_slice %arg5[%arg0, %dma_start3A, %dma_start3A_37] : memref<2x10000x128xf32, #tpu.memory_space<hbm>> -> memref<1x16x128xf32, #tpu.memory_space<hbm>>
        %dma_start3A_39 = tpu.memref_squeeze %dma_start3A_38 : memref<1x16x128xf32, #tpu.memory_space<hbm>> -> memref<16x128xf32, #tpu.memory_space<hbm>>
        %dma_start3A_40 = arith.constant 9984 : i32
        %dma_start3A_41 = arith.constant 0 : i32
        %dma_start3A_42 = tpu.memref_slice %arg9[%dma_start3A_40, %dma_start3A_41] : memref<10016x128xf32, #tpu.memory_space<vmem_shared>> -> memref<16x128xf32, #tpu.memory_space<vmem_shared>>
        tpu.enqueue_dma source(%dma_start3A_42 : memref<16x128xf32, #tpu.memory_space<vmem_shared>>) target(%dma_start3A_39 : memref<16x128xf32, #tpu.memory_space<hbm>>) target_semaphore(%run_scoped3A : memref<!tpu.dma_semaphore, #tpu.memory_space<semaphore_mem>>)
        %dma_wait3A = arith.constant 9984 : i32
        %dma_wait3A_43 = arith.constant 0 : i32
        %dma_wait3A_44 = tpu.memref_slice %arg5[%arg0, %dma_wait3A, %dma_wait3A_43] : memref<2x10000x128xf32, #tpu.memory_space<hbm>> -> memref<1x16x128xf32, #tpu.memory_space<hbm>>
        %dma_wait3A_45 = tpu.memref_squeeze %dma_wait3A_44 : memref<1x16x128xf32, #tpu.memory_space<hbm>> -> memref<16x128xf32, #tpu.memory_space<hbm>>
        %dma_wait3A_46 = arith.constant 9984 : i32
        %dma_wait3A_47 = arith.constant 0 : i32
        %dma_wait3A_48 = tpu.memref_slice %arg9[%dma_wait3A_46, %dma_wait3A_47] : memref<10016x128xf32, #tpu.memory_space<vmem_shared>> -> memref<16x128xf32, #tpu.memory_space<vmem_shared>>
        tpu.wait_dma2 semaphore(%run_scoped3A : memref<!tpu.dma_semaphore, #tpu.memory_space<semaphore_mem>>) src(%dma_wait3A_48 : memref<16x128xf32, #tpu.memory_space<vmem_shared>>) dst(%dma_wait3A_45 : memref<16x128xf32, #tpu.memory_space<hbm>>)
        tpu.yield
      }) : () -> ()
    } else {
    }
    return
  }
}

#map = affine_map<(d0, d1) -> (0, 0)>
#map1 = affine_map<(d0, d1) -> (0, 0, 0)>
module attributes {stable_mosaic.version = 14 : i64} {
  func.func @agg_kernel(%arg0: i32, %arg1: i32, %arg2: memref<10000x128xf32, #tpu.memory_space<hbm>>, %arg3: memref<32x111x128xi32, #tpu.memory_space<hbm>>, %arg4: memref<32x111x128xi32, #tpu.memory_space<hbm>>, %arg5: memref<2x10000x128xf32, #tpu.memory_space<hbm>>, %arg6: memref<111x128xi32, #tpu.memory_space<vmem>>, %arg7: memref<111x128xi32, #tpu.memory_space<vmem>>, %arg8: memref<128x128xf32, #tpu.memory_space<vmem>>, %arg9: memref<10016x128xf32, #tpu.memory_space<vmem_shared>>, %arg10: memref<!tpu.dma_semaphore, #tpu.memory_space<semaphore_mem>>) attributes {dimension_semantics = [#tpu.dimension_semantics<core_parallel>, #tpu.dimension_semantics<subcore_parallel>], iteration_bounds = array<i64: 2, 16>, scalar_prefetch = 0 : i64, scratch_operands = 5 : i64, tpu.core_type = #tpu.core_type<sc_vector_subcore>, window_params = [{transform_indices = #map}, {transform_indices = #map1}, {transform_indices = #map1}, {transform_indices = #map1}]} {
    %mul3A = arith.constant 624 : i32
    %mul3A_0 = arith.muli %arg1, %mul3A : i32
    %mul3A_1 = arith.constant 624 : i32
    %mul3A_2 = arith.muli %arg1, %mul3A_1 : i32
    "tpu.region"() ({
      %run_scoped3A = tpu.sem_alloc : memref<!tpu.dma_semaphore, #tpu.memory_space<semaphore_mem>>
      %dma_start3A = arith.constant 0 : i32
      %dma_start3A_37 = tpu.memref_slice %arg9[%mul3A_2, %dma_start3A] : memref<10016x128xf32, #tpu.memory_space<vmem_shared>> -> memref<624x128xf32, #tpu.memory_space<vmem_shared>>
      %dma_start3A_38 = arith.constant 0 : i32
      %dma_start3A_39 = tpu.memref_slice %arg2[%mul3A_0, %dma_start3A_38] : memref<10000x128xf32, #tpu.memory_space<hbm>> -> memref<624x128xf32, #tpu.memory_space<hbm>>
      tpu.enqueue_dma source(%dma_start3A_39 : memref<624x128xf32, #tpu.memory_space<hbm>>) target(%dma_start3A_37 : memref<624x128xf32, #tpu.memory_space<vmem_shared>>) target_semaphore(%run_scoped3A : memref<!tpu.dma_semaphore, #tpu.memory_space<semaphore_mem>>)
      %dma_wait3A = arith.constant 0 : i32
      %dma_wait3A_40 = tpu.memref_slice %arg9[%mul3A_2, %dma_wait3A] : memref<10016x128xf32, #tpu.memory_space<vmem_shared>> -> memref<624x128xf32, #tpu.memory_space<vmem_shared>>
      %dma_wait3A_41 = arith.constant 0 : i32
      %dma_wait3A_42 = tpu.memref_slice %arg2[%mul3A_0, %dma_wait3A_41] : memref<10000x128xf32, #tpu.memory_space<hbm>> -> memref<624x128xf32, #tpu.memory_space<hbm>>
      tpu.wait_dma2 semaphore(%run_scoped3A : memref<!tpu.dma_semaphore, #tpu.memory_space<semaphore_mem>>) src(%dma_wait3A_42 : memref<624x128xf32, #tpu.memory_space<hbm>>) dst(%dma_wait3A_40 : memref<624x128xf32, #tpu.memory_space<vmem_shared>>)
      tpu.yield
    }) : () -> ()
    %eq3A = arith.constant 15 : i32
    %eq3A_3 = arith.cmpi eq, %arg1, %eq3A : i32
    %convert_element_type3A = arith.extui %eq3A_3 : i1 to i32
    %cond3A = arith.constant 0 : i32
    %cond3A_4 = arith.cmpi ne, %convert_element_type3A, %cond3A : i32
    scf.if %cond3A_4 {
      "tpu.region"() ({
        %run_scoped3A = tpu.sem_alloc : memref<!tpu.dma_semaphore, #tpu.memory_space<semaphore_mem>>
        %dma_start3A = arith.constant 9984 : i32
        %dma_start3A_37 = arith.constant 0 : i32
        %dma_start3A_38 = tpu.memref_slice %arg9[%dma_start3A, %dma_start3A_37] : memref<10016x128xf32, #tpu.memory_space<vmem_shared>> -> memref<16x128xf32, #tpu.memory_space<vmem_shared>>
        %dma_start3A_39 = arith.constant 9984 : i32
        %dma_start3A_40 = arith.constant 0 : i32
        %dma_start3A_41 = tpu.memref_slice %arg2[%dma_start3A_39, %dma_start3A_40] : memref<10000x128xf32, #tpu.memory_space<hbm>> -> memref<16x128xf32, #tpu.memory_space<hbm>>
        tpu.enqueue_dma source(%dma_start3A_41 : memref<16x128xf32, #tpu.memory_space<hbm>>) target(%dma_start3A_38 : memref<16x128xf32, #tpu.memory_space<vmem_shared>>) target_semaphore(%run_scoped3A : memref<!tpu.dma_semaphore, #tpu.memory_space<semaphore_mem>>)
        %dma_wait3A = arith.constant 9984 : i32
        %dma_wait3A_42 = arith.constant 0 : i32
        %dma_wait3A_43 = tpu.memref_slice %arg9[%dma_wait3A, %dma_wait3A_42] : memref<10016x128xf32, #tpu.memory_space<vmem_shared>> -> memref<16x128xf32, #tpu.memory_space<vmem_shared>>
        %dma_wait3A_44 = arith.constant 9984 : i32
        %dma_wait3A_45 = arith.constant 0 : i32
        %dma_wait3A_46 = tpu.memref_slice %arg2[%dma_wait3A_44, %dma_wait3A_45] : memref<10000x128xf32, #tpu.memory_space<hbm>> -> memref<16x128xf32, #tpu.memory_space<hbm>>
        tpu.wait_dma2 semaphore(%run_scoped3A : memref<!tpu.dma_semaphore, #tpu.memory_space<semaphore_mem>>) src(%dma_wait3A_46 : memref<16x128xf32, #tpu.memory_space<hbm>>) dst(%dma_wait3A_43 : memref<16x128xf32, #tpu.memory_space<vmem_shared>>)
        tpu.yield
      }) : () -> ()
    } else {
    }
    %barrier3A = arith.constant 0 : index
    tpu.barrier barrier_id(%barrier3A)
    %mul3A_5 = arith.constant 16 : i32
    %mul3A_6 = arith.muli %arg0, %mul3A_5 : i32
    %add3A = arith.addi %mul3A_6, %arg1 : i32
    "tpu.region"() ({
      %run_scoped3A = tpu.sem_alloc : memref<!tpu.dma_semaphore, #tpu.memory_space<semaphore_mem>>
      %dma_start3A = arith.constant 0 : i32
      %dma_start3A_37 = arith.constant 0 : i32
      %dma_start3A_38 = tpu.memref_slice %arg3[%add3A, %dma_start3A, %dma_start3A_37] : memref<32x111x128xi32, #tpu.memory_space<hbm>> -> memref<1x111x128xi32, #tpu.memory_space<hbm>>
      %dma_start3A_39 = tpu.memref_squeeze %dma_start3A_38 : memref<1x111x128xi32, #tpu.memory_space<hbm>> -> memref<111x128xi32, #tpu.memory_space<hbm>>
      %dma_start3A_40 = arith.constant 0 : i32
      %dma_start3A_41 = arith.constant 0 : i32
      %dma_start3A_42 = tpu.memref_slice %arg3[%add3A, %dma_start3A_40, %dma_start3A_41] : memref<32x111x128xi32, #tpu.memory_space<hbm>> -> memref<1x111x128xi32, #tpu.memory_space<hbm>>
      %dma_start3A_43 = tpu.memref_squeeze %dma_start3A_42 : memref<1x111x128xi32, #tpu.memory_space<hbm>> -> memref<111x128xi32, #tpu.memory_space<hbm>>
      tpu.enqueue_dma source(%dma_start3A_43 : memref<111x128xi32, #tpu.memory_space<hbm>>) target(%arg6 : memref<111x128xi32, #tpu.memory_space<vmem>>) target_semaphore(%run_scoped3A : memref<!tpu.dma_semaphore, #tpu.memory_space<semaphore_mem>>)
      %dma_wait3A = arith.constant 0 : i32
      %dma_wait3A_44 = arith.constant 0 : i32
      %dma_wait3A_45 = tpu.memref_slice %arg3[%add3A, %dma_wait3A, %dma_wait3A_44] : memref<32x111x128xi32, #tpu.memory_space<hbm>> -> memref<1x111x128xi32, #tpu.memory_space<hbm>>
      %dma_wait3A_46 = tpu.memref_squeeze %dma_wait3A_45 : memref<1x111x128xi32, #tpu.memory_space<hbm>> -> memref<111x128xi32, #tpu.memory_space<hbm>>
      %dma_wait3A_47 = arith.constant 0 : i32
      %dma_wait3A_48 = arith.constant 0 : i32
      %dma_wait3A_49 = tpu.memref_slice %arg3[%add3A, %dma_wait3A_47, %dma_wait3A_48] : memref<32x111x128xi32, #tpu.memory_space<hbm>> -> memref<1x111x128xi32, #tpu.memory_space<hbm>>
      %dma_wait3A_50 = tpu.memref_squeeze %dma_wait3A_49 : memref<1x111x128xi32, #tpu.memory_space<hbm>> -> memref<111x128xi32, #tpu.memory_space<hbm>>
      tpu.wait_dma2 semaphore(%run_scoped3A : memref<!tpu.dma_semaphore, #tpu.memory_space<semaphore_mem>>) src(%dma_wait3A_50 : memref<111x128xi32, #tpu.memory_space<hbm>>) dst(%arg6 : memref<111x128xi32, #tpu.memory_space<vmem>>)
      tpu.yield
    }) : () -> ()
    "tpu.region"() ({
      %run_scoped3A = tpu.sem_alloc : memref<!tpu.dma_semaphore, #tpu.memory_space<semaphore_mem>>
      %dma_start3A = arith.constant 0 : i32
      %dma_start3A_37 = arith.constant 0 : i32
      %dma_start3A_38 = tpu.memref_slice %arg4[%add3A, %dma_start3A, %dma_start3A_37] : memref<32x111x128xi32, #tpu.memory_space<hbm>> -> memref<1x111x128xi32, #tpu.memory_space<hbm>>
      %dma_start3A_39 = tpu.memref_squeeze %dma_start3A_38 : memref<1x111x128xi32, #tpu.memory_space<hbm>> -> memref<111x128xi32, #tpu.memory_space<hbm>>
      %dma_start3A_40 = arith.constant 0 : i32
      %dma_start3A_41 = arith.constant 0 : i32
      %dma_start3A_42 = tpu.memref_slice %arg4[%add3A, %dma_start3A_40, %dma_start3A_41] : memref<32x111x128xi32, #tpu.memory_space<hbm>> -> memref<1x111x128xi32, #tpu.memory_space<hbm>>
      %dma_start3A_43 = tpu.memref_squeeze %dma_start3A_42 : memref<1x111x128xi32, #tpu.memory_space<hbm>> -> memref<111x128xi32, #tpu.memory_space<hbm>>
      tpu.enqueue_dma source(%dma_start3A_43 : memref<111x128xi32, #tpu.memory_space<hbm>>) target(%arg7 : memref<111x128xi32, #tpu.memory_space<vmem>>) target_semaphore(%run_scoped3A : memref<!tpu.dma_semaphore, #tpu.memory_space<semaphore_mem>>)
      %dma_wait3A = arith.constant 0 : i32
      %dma_wait3A_44 = arith.constant 0 : i32
      %dma_wait3A_45 = tpu.memref_slice %arg4[%add3A, %dma_wait3A, %dma_wait3A_44] : memref<32x111x128xi32, #tpu.memory_space<hbm>> -> memref<1x111x128xi32, #tpu.memory_space<hbm>>
      %dma_wait3A_46 = tpu.memref_squeeze %dma_wait3A_45 : memref<1x111x128xi32, #tpu.memory_space<hbm>> -> memref<111x128xi32, #tpu.memory_space<hbm>>
      %dma_wait3A_47 = arith.constant 0 : i32
      %dma_wait3A_48 = arith.constant 0 : i32
      %dma_wait3A_49 = tpu.memref_slice %arg4[%add3A, %dma_wait3A_47, %dma_wait3A_48] : memref<32x111x128xi32, #tpu.memory_space<hbm>> -> memref<1x111x128xi32, #tpu.memory_space<hbm>>
      %dma_wait3A_50 = tpu.memref_squeeze %dma_wait3A_49 : memref<1x111x128xi32, #tpu.memory_space<hbm>> -> memref<111x128xi32, #tpu.memory_space<hbm>>
      tpu.wait_dma2 semaphore(%run_scoped3A : memref<!tpu.dma_semaphore, #tpu.memory_space<semaphore_mem>>) src(%dma_wait3A_50 : memref<111x128xi32, #tpu.memory_space<hbm>>) dst(%arg7 : memref<111x128xi32, #tpu.memory_space<vmem>>)
      tpu.yield
    }) : () -> ()
    %eq3A_7 = arith.constant 1 : i32
    %eq3A_8 = arith.cmpi eq, %arg0, %eq3A_7 : i32
    %select_n3A = arith.constant 111 : i32
    %select_n3A_9 = arith.constant 47 : i32
    %select_n3A_10 = arith.select %eq3A_8, %select_n3A_9, %select_n3A : i32
    %sub3A = arith.constant 0 : i32
    %sub3A_11 = arith.subi %select_n3A_10, %sub3A : i32
    %sub3A_12 = arith.constant 1 : i32
    %sub3A_13 = arith.constant 1 : i32
    %sub3A_14 = arith.subi %sub3A_12, %sub3A_13 : i32
    %add3A_15 = arith.addi %sub3A_11, %sub3A_14 : i32
    %div3A = arith.constant 1 : i32
    %div3A_16 = arith.divsi %add3A_15, %div3A : i32
    %while3A = arith.constant 1 : i32
    %while3A_17 = arith.constant 0 : i32
    %while3A_18 = arith.constant 0 : i32
    %while3A_19 = arith.subi %div3A_16, %while3A_18 : i32
    %while3A_20 = arith.addi %while3A_18, %while3A_19 : i32
    %while3A_21 = arith.constant 1 : i32
    %while3A_22 = arith.divsi %while3A_19, %while3A_21 : i32
    %while3A_23 = arith.muli %while3A_22, %while3A_21 : i32
    %while3A_24 = arith.addi %while3A_18, %while3A_23 : i32
    %while3A_25 = arith.constant 1 : i32
    scf.for %while3A_37 = %while3A_18 to %while3A_24 step %while3A_25  : i32 {
      %mul3A_38 = arith.muli %while3A_37, %while3A : i32
      %add3A_39 = arith.addi %while3A_17, %mul3A_38 : i32
      %dma_start3A = arith.constant 0 : i32
      %dma_start3A_40 = tpu.memref_slice %arg6[%add3A_39, %dma_start3A] : memref<111x128xi32, #tpu.memory_space<vmem>> -> memref<1x128xi32, #tpu.memory_space<vmem>>
      %dma_start3A_41 = tpu.memref_squeeze %dma_start3A_40 : memref<1x128xi32, #tpu.memory_space<vmem>> -> memref<128xi32, #tpu.memory_space<vmem>>
      %dma_start3A_42 = arith.constant 0 : i32
      %dma_start3A_43 = arith.constant 0 : i32
      %dma_start3A_44 = tpu.memref_slice %arg2[%dma_start3A_42, %dma_start3A_43] : memref<10000x128xf32, #tpu.memory_space<hbm>> -> memref<10000x128xf32, #tpu.memory_space<hbm>>
      tpu.enqueue_indirect_dma source(%dma_start3A_44 : memref<10000x128xf32, #tpu.memory_space<hbm>>) target(%arg8 : memref<128x128xf32, #tpu.memory_space<vmem>>) offsets(%dma_start3A_41 : memref<128xi32, #tpu.memory_space<vmem>>) semaphore(%arg10 : memref<!tpu.dma_semaphore, #tpu.memory_space<semaphore_mem>>)
      %dma_wait3A = arith.constant 0 : i32
      %dma_wait3A_45 = tpu.memref_slice %arg6[%add3A_39, %dma_wait3A] : memref<111x128xi32, #tpu.memory_space<vmem>> -> memref<1x128xi32, #tpu.memory_space<vmem>>
      %dma_wait3A_46 = tpu.memref_squeeze %dma_wait3A_45 : memref<1x128xi32, #tpu.memory_space<vmem>> -> memref<128xi32, #tpu.memory_space<vmem>>
      %dma_wait3A_47 = arith.constant 0 : i32
      %dma_wait3A_48 = arith.constant 0 : i32
      %dma_wait3A_49 = tpu.memref_slice %arg2[%dma_wait3A_47, %dma_wait3A_48] : memref<10000x128xf32, #tpu.memory_space<hbm>> -> memref<10000x128xf32, #tpu.memory_space<hbm>>
      tpu.wait_indirect_dma semaphore(%arg10 : memref<!tpu.dma_semaphore, #tpu.memory_space<semaphore_mem>>) src(%dma_wait3A_49 : memref<10000x128xf32, #tpu.memory_space<hbm>>) dst(%arg8 : memref<128x128xf32, #tpu.memory_space<vmem>>)
      "tpu.region"() ({
        %run_scoped3A = tpu.sem_alloc : memref<!tpu.dma_semaphore, #tpu.memory_space<semaphore_mem>>
        %dma_start3A_50 = arith.constant 0 : i32
        %dma_start3A_51 = tpu.memref_slice %arg7[%add3A_39, %dma_start3A_50] : memref<111x128xi32, #tpu.memory_space<vmem>> -> memref<1x128xi32, #tpu.memory_space<vmem>>
        %dma_start3A_52 = tpu.memref_squeeze %dma_start3A_51 : memref<1x128xi32, #tpu.memory_space<vmem>> -> memref<128xi32, #tpu.memory_space<vmem>>
        %dma_start3A_53 = arith.constant 0 : i32
        %dma_start3A_54 = arith.constant 0 : i32
        %dma_start3A_55 = tpu.memref_slice %arg9[%dma_start3A_53, %dma_start3A_54] : memref<10016x128xf32, #tpu.memory_space<vmem_shared>> -> memref<10016x128xf32, #tpu.memory_space<vmem_shared>>
        tpu.enqueue_indirect_dma source(%arg8 : memref<128x128xf32, #tpu.memory_space<vmem>>) target(%dma_start3A_55 : memref<10016x128xf32, #tpu.memory_space<vmem_shared>>) offsets(%dma_start3A_52 : memref<128xi32, #tpu.memory_space<vmem>>) semaphore(%run_scoped3A : memref<!tpu.dma_semaphore, #tpu.memory_space<semaphore_mem>>) {add = true}
        %dma_wait3A_56 = arith.constant 0 : i32
        %dma_wait3A_57 = tpu.memref_slice %arg7[%add3A_39, %dma_wait3A_56] : memref<111x128xi32, #tpu.memory_space<vmem>> -> memref<1x128xi32, #tpu.memory_space<vmem>>
        %dma_wait3A_58 = tpu.memref_squeeze %dma_wait3A_57 : memref<1x128xi32, #tpu.memory_space<vmem>> -> memref<128xi32, #tpu.memory_space<vmem>>
        %dma_wait3A_59 = arith.constant 0 : i32
        %dma_wait3A_60 = arith.constant 0 : i32
        %dma_wait3A_61 = tpu.memref_slice %arg9[%dma_wait3A_59, %dma_wait3A_60] : memref<10016x128xf32, #tpu.memory_space<vmem_shared>> -> memref<10016x128xf32, #tpu.memory_space<vmem_shared>>
        tpu.wait_indirect_dma semaphore(%run_scoped3A : memref<!tpu.dma_semaphore, #tpu.memory_space<semaphore_mem>>) src(%arg8 : memref<128x128xf32, #tpu.memory_space<vmem>>) dst(%dma_wait3A_61 : memref<10016x128xf32, #tpu.memory_space<vmem_shared>>)
        tpu.yield
      }) : () -> ()
    }
    %while3A_26 = arith.constant 1 : i32
    scf.for %while3A_37 = %while3A_24 to %while3A_20 step %while3A_26  : i32 {
      %mul3A_38 = arith.muli %while3A_37, %while3A : i32
      %add3A_39 = arith.addi %while3A_17, %mul3A_38 : i32
      %dma_start3A = arith.constant 0 : i32
      %dma_start3A_40 = tpu.memref_slice %arg6[%add3A_39, %dma_start3A] : memref<111x128xi32, #tpu.memory_space<vmem>> -> memref<1x128xi32, #tpu.memory_space<vmem>>
      %dma_start3A_41 = tpu.memref_squeeze %dma_start3A_40 : memref<1x128xi32, #tpu.memory_space<vmem>> -> memref<128xi32, #tpu.memory_space<vmem>>
      %dma_start3A_42 = arith.constant 0 : i32
      %dma_start3A_43 = arith.constant 0 : i32
      %dma_start3A_44 = tpu.memref_slice %arg2[%dma_start3A_42, %dma_start3A_43] : memref<10000x128xf32, #tpu.memory_space<hbm>> -> memref<10000x128xf32, #tpu.memory_space<hbm>>
      tpu.enqueue_indirect_dma source(%dma_start3A_44 : memref<10000x128xf32, #tpu.memory_space<hbm>>) target(%arg8 : memref<128x128xf32, #tpu.memory_space<vmem>>) offsets(%dma_start3A_41 : memref<128xi32, #tpu.memory_space<vmem>>) semaphore(%arg10 : memref<!tpu.dma_semaphore, #tpu.memory_space<semaphore_mem>>)
      %dma_wait3A = arith.constant 0 : i32
      %dma_wait3A_45 = tpu.memref_slice %arg6[%add3A_39, %dma_wait3A] : memref<111x128xi32, #tpu.memory_space<vmem>> -> memref<1x128xi32, #tpu.memory_space<vmem>>
      %dma_wait3A_46 = tpu.memref_squeeze %dma_wait3A_45 : memref<1x128xi32, #tpu.memory_space<vmem>> -> memref<128xi32, #tpu.memory_space<vmem>>
      %dma_wait3A_47 = arith.constant 0 : i32
      %dma_wait3A_48 = arith.constant 0 : i32
      %dma_wait3A_49 = tpu.memref_slice %arg2[%dma_wait3A_47, %dma_wait3A_48] : memref<10000x128xf32, #tpu.memory_space<hbm>> -> memref<10000x128xf32, #tpu.memory_space<hbm>>
      tpu.wait_indirect_dma semaphore(%arg10 : memref<!tpu.dma_semaphore, #tpu.memory_space<semaphore_mem>>) src(%dma_wait3A_49 : memref<10000x128xf32, #tpu.memory_space<hbm>>) dst(%arg8 : memref<128x128xf32, #tpu.memory_space<vmem>>)
      "tpu.region"() ({
        %run_scoped3A = tpu.sem_alloc : memref<!tpu.dma_semaphore, #tpu.memory_space<semaphore_mem>>
        %dma_start3A_50 = arith.constant 0 : i32
        %dma_start3A_51 = tpu.memref_slice %arg7[%add3A_39, %dma_start3A_50] : memref<111x128xi32, #tpu.memory_space<vmem>> -> memref<1x128xi32, #tpu.memory_space<vmem>>
        %dma_start3A_52 = tpu.memref_squeeze %dma_start3A_51 : memref<1x128xi32, #tpu.memory_space<vmem>> -> memref<128xi32, #tpu.memory_space<vmem>>
        %dma_start3A_53 = arith.constant 0 : i32
        %dma_start3A_54 = arith.constant 0 : i32
        %dma_start3A_55 = tpu.memref_slice %arg9[%dma_start3A_53, %dma_start3A_54] : memref<10016x128xf32, #tpu.memory_space<vmem_shared>> -> memref<10016x128xf32, #tpu.memory_space<vmem_shared>>
        tpu.enqueue_indirect_dma source(%arg8 : memref<128x128xf32, #tpu.memory_space<vmem>>) target(%dma_start3A_55 : memref<10016x128xf32, #tpu.memory_space<vmem_shared>>) offsets(%dma_start3A_52 : memref<128xi32, #tpu.memory_space<vmem>>) semaphore(%run_scoped3A : memref<!tpu.dma_semaphore, #tpu.memory_space<semaphore_mem>>) {add = true}
        %dma_wait3A_56 = arith.constant 0 : i32
        %dma_wait3A_57 = tpu.memref_slice %arg7[%add3A_39, %dma_wait3A_56] : memref<111x128xi32, #tpu.memory_space<vmem>> -> memref<1x128xi32, #tpu.memory_space<vmem>>
        %dma_wait3A_58 = tpu.memref_squeeze %dma_wait3A_57 : memref<1x128xi32, #tpu.memory_space<vmem>> -> memref<128xi32, #tpu.memory_space<vmem>>
        %dma_wait3A_59 = arith.constant 0 : i32
        %dma_wait3A_60 = arith.constant 0 : i32
        %dma_wait3A_61 = tpu.memref_slice %arg9[%dma_wait3A_59, %dma_wait3A_60] : memref<10016x128xf32, #tpu.memory_space<vmem_shared>> -> memref<10016x128xf32, #tpu.memory_space<vmem_shared>>
        tpu.wait_indirect_dma semaphore(%run_scoped3A : memref<!tpu.dma_semaphore, #tpu.memory_space<semaphore_mem>>) src(%arg8 : memref<128x128xf32, #tpu.memory_space<vmem>>) dst(%dma_wait3A_61 : memref<10016x128xf32, #tpu.memory_space<vmem_shared>>)
        tpu.yield
      }) : () -> ()
    }
    %barrier3A_27 = arith.constant 0 : index
    tpu.barrier barrier_id(%barrier3A_27)
    %mul3A_28 = arith.constant 624 : i32
    %mul3A_29 = arith.muli %arg1, %mul3A_28 : i32
    %mul3A_30 = arith.constant 624 : i32
    %mul3A_31 = arith.muli %arg1, %mul3A_30 : i32
    "tpu.region"() ({
      %run_scoped3A = tpu.sem_alloc : memref<!tpu.dma_semaphore, #tpu.memory_space<semaphore_mem>>
      %dma_start3A = arith.constant 0 : i32
      %dma_start3A_37 = tpu.memref_slice %arg5[%arg0, %mul3A_31, %dma_start3A] : memref<2x10000x128xf32, #tpu.memory_space<hbm>> -> memref<1x624x128xf32, #tpu.memory_space<hbm>>
      %dma_start3A_38 = tpu.memref_squeeze %dma_start3A_37 : memref<1x624x128xf32, #tpu.memory_space<hbm>> -> memref<624x128xf32, #tpu.memory_space<hbm>>
      %dma_start3A_39 = arith.constant 0 : i32
      %dma_start3A_40 = tpu.memref_slice %arg9[%mul3A_29, %dma_start3A_39] : memref<10016x128xf32, #tpu.memory_space<vmem_shared>> -> memref<624x128xf32, #tpu.memory_space<vmem_shared>>
      tpu.enqueue_dma source(%dma_start3A_40 : memref<624x128xf32, #tpu.memory_space<vmem_shared>>) target(%dma_start3A_38 : memref<624x128xf32, #tpu.memory_space<hbm>>) target_semaphore(%run_scoped3A : memref<!tpu.dma_semaphore, #tpu.memory_space<semaphore_mem>>)
      %dma_wait3A = arith.constant 0 : i32
      %dma_wait3A_41 = tpu.memref_slice %arg5[%arg0, %mul3A_31, %dma_wait3A] : memref<2x10000x128xf32, #tpu.memory_space<hbm>> -> memref<1x624x128xf32, #tpu.memory_space<hbm>>
      %dma_wait3A_42 = tpu.memref_squeeze %dma_wait3A_41 : memref<1x624x128xf32, #tpu.memory_space<hbm>> -> memref<624x128xf32, #tpu.memory_space<hbm>>
      %dma_wait3A_43 = arith.constant 0 : i32
      %dma_wait3A_44 = tpu.memref_slice %arg9[%mul3A_29, %dma_wait3A_43] : memref<10016x128xf32, #tpu.memory_space<vmem_shared>> -> memref<624x128xf32, #tpu.memory_space<vmem_shared>>
      tpu.wait_dma2 semaphore(%run_scoped3A : memref<!tpu.dma_semaphore, #tpu.memory_space<semaphore_mem>>) src(%dma_wait3A_44 : memref<624x128xf32, #tpu.memory_space<vmem_shared>>) dst(%dma_wait3A_42 : memref<624x128xf32, #tpu.memory_space<hbm>>)
      tpu.yield
    }) : () -> ()
    %eq3A_32 = arith.constant 15 : i32
    %eq3A_33 = arith.cmpi eq, %arg1, %eq3A_32 : i32
    %convert_element_type3A_34 = arith.extui %eq3A_33 : i1 to i32
    %cond3A_35 = arith.constant 0 : i32
    %cond3A_36 = arith.cmpi ne, %convert_element_type3A_34, %cond3A_35 : i32
    scf.if %cond3A_36 {
      "tpu.region"() ({
        %run_scoped3A = tpu.sem_alloc : memref<!tpu.dma_semaphore, #tpu.memory_space<semaphore_mem>>
        %dma_start3A = arith.constant 9984 : i32
        %dma_start3A_37 = arith.constant 0 : i32
        %dma_start3A_38 = tpu.memref_slice %arg5[%arg0, %dma_start3A, %dma_start3A_37] : memref<2x10000x128xf32, #tpu.memory_space<hbm>> -> memref<1x16x128xf32, #tpu.memory_space<hbm>>
        %dma_start3A_39 = tpu.memref_squeeze %dma_start3A_38 : memref<1x16x128xf32, #tpu.memory_space<hbm>> -> memref<16x128xf32, #tpu.memory_space<hbm>>
        %dma_start3A_40 = arith.constant 9984 : i32
        %dma_start3A_41 = arith.constant 0 : i32
        %dma_start3A_42 = tpu.memref_slice %arg9[%dma_start3A_40, %dma_start3A_41] : memref<10016x128xf32, #tpu.memory_space<vmem_shared>> -> memref<16x128xf32, #tpu.memory_space<vmem_shared>>
        tpu.enqueue_dma source(%dma_start3A_42 : memref<16x128xf32, #tpu.memory_space<vmem_shared>>) target(%dma_start3A_39 : memref<16x128xf32, #tpu.memory_space<hbm>>) target_semaphore(%run_scoped3A : memref<!tpu.dma_semaphore, #tpu.memory_space<semaphore_mem>>)
        %dma_wait3A = arith.constant 9984 : i32
        %dma_wait3A_43 = arith.constant 0 : i32
        %dma_wait3A_44 = tpu.memref_slice %arg5[%arg0, %dma_wait3A, %dma_wait3A_43] : memref<2x10000x128xf32, #tpu.memory_space<hbm>> -> memref<1x16x128xf32, #tpu.memory_space<hbm>>
        %dma_wait3A_45 = tpu.memref_squeeze %dma_wait3A_44 : memref<1x16x128xf32, #tpu.memory_space<hbm>> -> memref<16x128xf32, #tpu.memory_space<hbm>>
        %dma_wait3A_46 = arith.constant 9984 : i32
        %dma_wait3A_47 = arith.constant 0 : i32
        %dma_wait3A_48 = tpu.memref_slice %arg9[%dma_wait3A_46, %dma_wait3A_47] : memref<10016x128xf32, #tpu.memory_space<vmem_shared>> -> memref<16x128xf32, #tpu.memory_space<vmem_shared>>
        tpu.wait_dma2 semaphore(%run_scoped3A : memref<!tpu.dma_semaphore, #tpu.memory_space<semaphore_mem>>) src(%dma_wait3A_48 : memref<16x128xf32, #tpu.memory_space<vmem_shared>>) dst(%dma_wait3A_45 : memref<16x128xf32, #tpu.memory_space<hbm>>)
        tpu.yield
      }) : () -> ()
    } else {
    }
    return
  }
}

module attributes {stable_mosaic.version = 14 : i64} {
  func.func @_mlp_body(%arg0: i32, %arg1: memref<1000x128xf32, #tpu.memory_space<vmem>>, %arg2: memref<1000x128xf32, #tpu.memory_space<vmem>>, %arg3: memref<1000x128xf32, #tpu.memory_space<vmem>>, %arg4: memref<128x128xf32, #tpu.memory_space<vmem>>, %arg5: memref<1x128xf32, #tpu.memory_space<vmem>>, %arg6: memref<128x128xf32, #tpu.memory_space<vmem>>, %arg7: memref<1x128xf32, #tpu.memory_space<vmem>>, %arg8: memref<1x128xf32, #tpu.memory_space<vmem>>, %arg9: memref<1x128xf32, #tpu.memory_space<vmem>>, %arg10: memref<1x1xf32, #tpu.memory_space<vmem>>, %arg11: memref<1000x128xf32, #tpu.memory_space<vmem>>) attributes {dimension_semantics = [#tpu.dimension_semantics<arbitrary>], iteration_bounds = array<i64: 10>, scalar_prefetch = 0 : i64, scratch_operands = 0 : i64, tpu.core_type = #tpu.core_type<tc>, window_params = [{transform_indices = @transform_0, window_bounds = array<i64: 1000, 128>}, {transform_indices = @transform_1, window_bounds = array<i64: 1000, 128>}, {transform_indices = @transform_2, window_bounds = array<i64: 1000, 128>}, {pipeline_mode = #tpu.pipeline_mode<synchronous>, transform_indices = @transform_3, window_bounds = array<i64: 128, 128>}, {pipeline_mode = #tpu.pipeline_mode<synchronous>, transform_indices = @transform_4, window_bounds = array<i64: 1, 128>}, {pipeline_mode = #tpu.pipeline_mode<synchronous>, transform_indices = @transform_5, window_bounds = array<i64: 128, 128>}, {pipeline_mode = #tpu.pipeline_mode<synchronous>, transform_indices = @transform_6, window_bounds = array<i64: 1, 128>}, {pipeline_mode = #tpu.pipeline_mode<synchronous>, transform_indices = @transform_7, window_bounds = array<i64: 1, 128>}, {pipeline_mode = #tpu.pipeline_mode<synchronous>, transform_indices = @transform_8, window_bounds = array<i64: 1, 128>}, {pipeline_mode = #tpu.pipeline_mode<synchronous>, transform_indices = @transform_9, window_bounds = array<i64: 1, 1>}, {transform_indices = @transform_10, window_bounds = array<i64: 1000, 128>}]} {
    %get3A = arith.constant 0 : index
    %get3A_0 = arith.constant 0 : index
    %get3A_1 = vector.load %arg1[%get3A, %get3A_0] : memref<1000x128xf32, #tpu.memory_space<vmem>>, vector<1000x128xf32>
    %get3A_2 = arith.constant 0 : index
    %get3A_3 = arith.constant 0 : index
    %get3A_4 = vector.load %arg10[%get3A_2, %get3A_3] : memref<1x1xf32, #tpu.memory_space<vmem>>, vector<1x1xf32>
    %get3A_5 = vector.extract %get3A_4[0, 0] : f32 from vector<1x1xf32>
    %mul3A = vector.broadcast %get3A_5 : f32 to vector<1000x128xf32>
    %mul3A_6 = arith.mulf %get3A_1, %mul3A : vector<1000x128xf32>
    %get3A_7 = arith.constant 0 : index
    %get3A_8 = arith.constant 0 : index
    %get3A_9 = vector.load %arg2[%get3A_7, %get3A_8] : memref<1000x128xf32, #tpu.memory_space<vmem>>, vector<1000x128xf32>
    %add3A = arith.addf %mul3A_6, %get3A_9 : vector<1000x128xf32>
    %get3A_10 = arith.constant 0 : index
    %get3A_11 = arith.constant 0 : index
    %get3A_12 = vector.load %arg3[%get3A_10, %get3A_11] : memref<1000x128xf32, #tpu.memory_space<vmem>>, vector<1000x128xf32>
    %add3A_13 = arith.addf %add3A, %get3A_12 : vector<1000x128xf32>
    %get3A_14 = arith.constant 0 : index
    %get3A_15 = arith.constant 0 : index
    %get3A_16 = vector.load %arg4[%get3A_14, %get3A_15] : memref<128x128xf32, #tpu.memory_space<vmem>>, vector<128x128xf32>
    %dot_general3A = arith.constant dense<0.000000e+00> : vector<1000x128xf32>
    %dot_general3A_17 = tpu.matmul %add3A_13, %get3A_16, %dot_general3A {dimension_numbers = #tpu.dot_dimension_numbers<[1], [0], [0], [1], [0, 0, 1, 1], [], []>, precision = #tpu.contract_precision<fp32>, transpose_lhs_hint = false} : vector<1000x128xf32>, vector<128x128xf32>, vector<1000x128xf32> -> vector<1000x128xf32>
    %get3A_18 = arith.constant 0 : index
    %get3A_19 = arith.constant 0 : index
    %get3A_20 = vector.load %arg5[%get3A_18, %get3A_19] : memref<1x128xf32, #tpu.memory_space<vmem>>, vector<1x128xf32>
    %add3A_21 = vector.broadcast %get3A_20 : vector<1x128xf32> to vector<1000x128xf32>
    %add3A_22 = arith.addf %dot_general3A_17, %add3A_21 : vector<1000x128xf32>
    %max3A = arith.constant 0.000000e+00 : f32
    %max3A_23 = vector.broadcast %max3A : f32 to vector<1000x128xf32>
    %max3A_24 = arith.maximumf %add3A_22, %max3A_23 : vector<1000x128xf32>
    %get3A_25 = arith.constant 0 : index
    %get3A_26 = arith.constant 0 : index
    %get3A_27 = vector.load %arg6[%get3A_25, %get3A_26] : memref<128x128xf32, #tpu.memory_space<vmem>>, vector<128x128xf32>
    %dot_general3A_28 = arith.constant dense<0.000000e+00> : vector<1000x128xf32>
    %dot_general3A_29 = tpu.matmul %max3A_24, %get3A_27, %dot_general3A_28 {dimension_numbers = #tpu.dot_dimension_numbers<[1], [0], [0], [1], [0, 0, 1, 1], [], []>, precision = #tpu.contract_precision<fp32>, transpose_lhs_hint = false} : vector<1000x128xf32>, vector<128x128xf32>, vector<1000x128xf32> -> vector<1000x128xf32>
    %get3A_30 = arith.constant 0 : index
    %get3A_31 = arith.constant 0 : index
    %get3A_32 = vector.load %arg7[%get3A_30, %get3A_31] : memref<1x128xf32, #tpu.memory_space<vmem>>, vector<1x128xf32>
    %add3A_33 = vector.broadcast %get3A_32 : vector<1x128xf32> to vector<1000x128xf32>
    %add3A_34 = arith.addf %dot_general3A_29, %add3A_33 : vector<1000x128xf32>
    %max3A_35 = arith.constant 0.000000e+00 : f32
    %max3A_36 = vector.broadcast %max3A_35 : f32 to vector<1000x128xf32>
    %max3A_37 = arith.maximumf %add3A_34, %max3A_36 : vector<1000x128xf32>
    %get3A_38 = arith.constant 0 : index
    %get3A_39 = arith.constant 0 : index
    %get3A_40 = vector.load %arg8[%get3A_38, %get3A_39] : memref<1x128xf32, #tpu.memory_space<vmem>>, vector<1x128xf32>
    %mul3A_41 = vector.broadcast %get3A_40 : vector<1x128xf32> to vector<1000x128xf32>
    %mul3A_42 = arith.mulf %max3A_37, %mul3A_41 : vector<1000x128xf32>
    %get3A_43 = arith.constant 0 : index
    %get3A_44 = arith.constant 0 : index
    %get3A_45 = vector.load %arg9[%get3A_43, %get3A_44] : memref<1x128xf32, #tpu.memory_space<vmem>>, vector<1x128xf32>
    %add3A_46 = vector.broadcast %get3A_45 : vector<1x128xf32> to vector<1000x128xf32>
    %add3A_47 = arith.addf %mul3A_42, %add3A_46 : vector<1000x128xf32>
    %swap3A = arith.constant 0 : index
    %swap3A_48 = arith.constant 0 : index
    %swap3A_49 = vector.load %arg11[%swap3A, %swap3A_48] : memref<1000x128xf32, #tpu.memory_space<vmem>>, vector<1000x128xf32>
    tpu.vector_store %arg11[%swap3A, %swap3A_48], %add3A_47 {strides = array<i32>} : memref<1000x128xf32, #tpu.memory_space<vmem>>, vector<1000x128xf32>,
    return
  }
  func.func @transform_0(%arg0: i32) -> (i32, i32) {
    %c0_i32 = arith.constant 0 : i32
    %c0_i32_0 = arith.constant 0 : i32
    return %arg0, %c0_i32 : i32, i32
  }
  func.func @transform_1(%arg0: i32) -> (i32, i32) {
    %c0_i32 = arith.constant 0 : i32
    %c0_i32_0 = arith.constant 0 : i32
    return %arg0, %c0_i32 : i32, i32
  }
  func.func @transform_2(%arg0: i32) -> (i32, i32) {
    %c0_i32 = arith.constant 0 : i32
    %c0_i32_0 = arith.constant 0 : i32
    return %arg0, %c0_i32 : i32, i32
  }
  func.func @transform_3(%arg0: i32) -> (i32, i32) {
    %c0_i32 = arith.constant 0 : i32
    %c0_i32_0 = arith.constant 0 : i32
    %c0_i32_1 = arith.constant 0 : i32
    return %c0_i32, %c0_i32_0 : i32, i32
  }
  func.func @transform_4(%arg0: i32) -> (i32, i32) {
    %c0_i32 = arith.constant 0 : i32
    %c0_i32_0 = arith.constant 0 : i32
    %c0_i32_1 = arith.constant 0 : i32
    return %c0_i32, %c0_i32_0 : i32, i32
  }
  func.func @transform_5(%arg0: i32) -> (i32, i32) {
    %c0_i32 = arith.constant 0 : i32
    %c0_i32_0 = arith.constant 0 : i32
    %c0_i32_1 = arith.constant 0 : i32
    return %c0_i32, %c0_i32_0 : i32, i32
  }
  func.func @transform_6(%arg0: i32) -> (i32, i32) {
    %c0_i32 = arith.constant 0 : i32
    %c0_i32_0 = arith.constant 0 : i32
    %c0_i32_1 = arith.constant 0 : i32
    return %c0_i32, %c0_i32_0 : i32, i32
  }
  func.func @transform_7(%arg0: i32) -> (i32, i32) {
    %c0_i32 = arith.constant 0 : i32
    %c0_i32_0 = arith.constant 0 : i32
    %c0_i32_1 = arith.constant 0 : i32
    return %c0_i32, %c0_i32_0 : i32, i32
  }
  func.func @transform_8(%arg0: i32) -> (i32, i32) {
    %c0_i32 = arith.constant 0 : i32
    %c0_i32_0 = arith.constant 0 : i32
    %c0_i32_1 = arith.constant 0 : i32
    return %c0_i32, %c0_i32_0 : i32, i32
  }
  func.func @transform_9(%arg0: i32) -> (i32, i32) {
    %c0_i32 = arith.constant 0 : i32
    %c0_i32_0 = arith.constant 0 : i32
    %c0_i32_1 = arith.constant 0 : i32
    return %c0_i32, %c0_i32_0 : i32, i32
  }
  func.func @transform_10(%arg0: i32) -> (i32, i32) {
    %c0_i32 = arith.constant 0 : i32
    %c0_i32_0 = arith.constant 0 : i32
    return %arg0, %c0_i32 : i32, i32
  }
}

module attributes {stable_mosaic.version = 14 : i64} {
  func.func @_head_body(%arg0: memref<10000x128xf32, #tpu.memory_space<vmem>>, %arg1: memref<1x10000xi32, #tpu.memory_space<vmem>>, %arg2: memref<128x128xf32, #tpu.memory_space<vmem>>, %arg3: memref<1x128xf32, #tpu.memory_space<vmem>>, %arg4: memref<128x64xf32, #tpu.memory_space<vmem>>, %arg5: memref<1x64xf32, #tpu.memory_space<vmem>>, %arg6: memref<64x64xf32, #tpu.memory_space<vmem>>) attributes {dimension_semantics = [], scalar_prefetch = 0 : i64, scratch_operands = 0 : i64, tpu.core_type = #tpu.core_type<tc>} {
    %iota3A = tpu.iota {dimensions = array<i32: 0>} : vector<64x10000xi32>
    %get3A = arith.constant 0 : index
    %get3A_0 = arith.constant 0 : index
    %get3A_1 = vector.load %arg1[%get3A, %get3A_0] : memref<1x10000xi32, #tpu.memory_space<vmem>>, vector<1x10000xi32>
    %eq3A = vector.broadcast %get3A_1 : vector<1x10000xi32> to vector<64x10000xi32>
    %eq3A_2 = arith.cmpi eq, %iota3A, %eq3A : vector<64x10000xi32>
    %convert_element_type3A = arith.extui %eq3A_2 : vector<64x10000xi1> to vector<64x10000xi32>
    %convert_element_type3A_3 = arith.sitofp %convert_element_type3A : vector<64x10000xi32> to vector<64x10000xf32>
    %get3A_4 = arith.constant 0 : index
    %get3A_5 = arith.constant 0 : index
    %get3A_6 = vector.load %arg0[%get3A_4, %get3A_5] : memref<10000x128xf32, #tpu.memory_space<vmem>>, vector<10000x128xf32>
    %dot_general3A = arith.constant dense<0.000000e+00> : vector<64x128xf32>
    %dot_general3A_7 = tpu.matmul %convert_element_type3A_3, %get3A_6, %dot_general3A {dimension_numbers = #tpu.dot_dimension_numbers<[1], [0], [0], [1], [0, 0, 1, 1], [], []>, precision = #tpu.contract_precision<fp32>, transpose_lhs_hint = false} : vector<64x10000xf32>, vector<10000x128xf32>, vector<64x128xf32> -> vector<64x128xf32>
    %reduce_sum3A = arith.constant dense<0.000000e+00> : vector<64xf32>
    %reduce_sum3A_8 = vector.multi_reduction <add>, %convert_element_type3A_3, %reduce_sum3A [1] : vector<64x10000xf32> to vector<64xf32>
    %broadcast_in_dim3A = vector.shape_cast %reduce_sum3A_8 : vector<64xf32> to vector<64x1xf32>
    %max3A = arith.constant 1.000000e+00 : f32
    %max3A_9 = vector.broadcast %max3A : f32 to vector<64x1xf32>
    %max3A_10 = arith.maximumf %broadcast_in_dim3A, %max3A_9 : vector<64x1xf32>
    %div3A = vector.broadcast %max3A_10 : vector<64x1xf32> to vector<64x128xf32>
    %div3A_11 = arith.divf %dot_general3A_7, %div3A : vector<64x128xf32>
    %get3A_12 = arith.constant 0 : index
    %get3A_13 = arith.constant 0 : index
    %get3A_14 = vector.load %arg2[%get3A_12, %get3A_13] : memref<128x128xf32, #tpu.memory_space<vmem>>, vector<128x128xf32>
    %dot_general3A_15 = arith.constant dense<0.000000e+00> : vector<64x128xf32>
    %dot_general3A_16 = tpu.matmul %div3A_11, %get3A_14, %dot_general3A_15 {dimension_numbers = #tpu.dot_dimension_numbers<[1], [0], [0], [1], [0, 0, 1, 1], [], []>, precision = #tpu.contract_precision<fp32>, transpose_lhs_hint = false} : vector<64x128xf32>, vector<128x128xf32>, vector<64x128xf32> -> vector<64x128xf32>
    %get3A_17 = arith.constant 0 : index
    %get3A_18 = arith.constant 0 : index
    %get3A_19 = vector.load %arg3[%get3A_17, %get3A_18] : memref<1x128xf32, #tpu.memory_space<vmem>>, vector<1x128xf32>
    %add3A = vector.broadcast %get3A_19 : vector<1x128xf32> to vector<64x128xf32>
    %add3A_20 = arith.addf %dot_general3A_16, %add3A : vector<64x128xf32>
    %max3A_21 = arith.constant 0.000000e+00 : f32
    %max3A_22 = vector.broadcast %max3A_21 : f32 to vector<64x128xf32>
    %max3A_23 = arith.maximumf %add3A_20, %max3A_22 : vector<64x128xf32>
    %get3A_24 = arith.constant 0 : index
    %get3A_25 = arith.constant 0 : index
    %get3A_26 = vector.load %arg4[%get3A_24, %get3A_25] : memref<128x64xf32, #tpu.memory_space<vmem>>, vector<128x64xf32>
    %dot_general3A_27 = arith.constant dense<0.000000e+00> : vector<64x64xf32>
    %dot_general3A_28 = tpu.matmul %max3A_23, %get3A_26, %dot_general3A_27 {dimension_numbers = #tpu.dot_dimension_numbers<[1], [0], [0], [1], [0, 0, 1, 1], [], []>, precision = #tpu.contract_precision<fp32>, transpose_lhs_hint = false} : vector<64x128xf32>, vector<128x64xf32>, vector<64x64xf32> -> vector<64x64xf32>
    %get3A_29 = arith.constant 0 : index
    %get3A_30 = arith.constant 0 : index
    %get3A_31 = vector.load %arg5[%get3A_29, %get3A_30] : memref<1x64xf32, #tpu.memory_space<vmem>>, vector<1x64xf32>
    %add3A_32 = vector.broadcast %get3A_31 : vector<1x64xf32> to vector<64x64xf32>
    %add3A_33 = arith.addf %dot_general3A_28, %add3A_32 : vector<64x64xf32>
    %reduce_max3A = arith.constant dense<0xFF800000> : vector<64xf32>
    %reduce_max3A_34 = vector.multi_reduction <maximumf>, %add3A_33, %reduce_max3A [1] : vector<64x64xf32> to vector<64xf32>
    %broadcast_in_dim3A_35 = vector.shape_cast %reduce_max3A_34 : vector<64xf32> to vector<64x1xf32>
    %sub3A = vector.broadcast %broadcast_in_dim3A_35 : vector<64x1xf32> to vector<64x64xf32>
    %sub3A_36 = arith.subf %add3A_33, %sub3A : vector<64x64xf32>
    %exp3A = math.exp %sub3A_36 : vector<64x64xf32>
    %reduce_sum3A_37 = arith.constant dense<0.000000e+00> : vector<64xf32>
    %reduce_sum3A_38 = vector.multi_reduction <add>, %exp3A, %reduce_sum3A_37 [1] : vector<64x64xf32> to vector<64xf32>
    %broadcast_in_dim3A_39 = vector.shape_cast %reduce_sum3A_38 : vector<64xf32> to vector<64x1xf32>
    %log3A = math.log %broadcast_in_dim3A_39 : vector<64x1xf32>
    %sub3A_40 = vector.broadcast %log3A : vector<64x1xf32> to vector<64x64xf32>
    %sub3A_41 = arith.subf %sub3A_36, %sub3A_40 : vector<64x64xf32>
    %swap3A = arith.constant 0 : index
    %swap3A_42 = arith.constant 0 : index
    %swap3A_43 = vector.load %arg6[%swap3A, %swap3A_42] : memref<64x64xf32, #tpu.memory_space<vmem>>, vector<64x64xf32>
    tpu.vector_store %arg6[%swap3A, %swap3A_42], %sub3A_41 {strides = array<i32>} : memref<64x64xf32, #tpu.memory_space<vmem>>, vector<64x64xf32>,
    return
  }
}

</mosaic_0001>

<sc_bundles>
// kernel: kernel.11.cloned.1.call-start
scs
__scs_entry_jumppad:
0x0: {  	(pc) =	sbr.rel $0x88, $3  }
0x1: {  	(tag) =	ssettag $0x0;
	lr =	simm.s32 $0x1  }
0x2: {  	[smem:$0x3F7E] =	sst lr;
	_ =	strace $0xD0000000  }
0x3: {  	_ = 	snop  }
0x4: {  	_ = 	snop  }
0x5: {  	_ = 	snop  }
0x6: {  	_ = 	snop  }
0x7: {  	_ = 	snop  }
__scs_overlays_trampoline_lowered:
0x8: {  	[smem:$0x3F8D] =	sst s0  }
0x9: {  	[smem:$0x3F8E] =	sst s1  }
0xa: {  	[smem:$0x3F8F] =	sst s2  }
0xb: {  	[smem:$0x3F90] =	sst s3  }
0xc: {  	[smem:$0x3F91] =	sst s4  }
0xd: {  	[smem:$0x3F92] =	sst s5  }
0xe: {  	[smem:$0x3F93] =	sst s6  }
0xf: {  	[smem:$0x3F94] =	sst s7  }
0x10: {  	[smem:$0x3F95] =	sst s8  }
0x11: {  	[smem:$0x3F96] =	sst s9;
	s0 =	simm.s32 @!p0 $0x0  }
0x12: {  	s1 =	sld [smem:$0x3F7C];
	s0 =	simm.s32 @p0 $0x1  }
0x13: {  	[smem:$0x3F97] =	sst s0;
	s0 =	simm.s32 @!p1 $0x0  }
0x14: {  	s2 =	sld [smem:$0x3F7B];
	s0 =	simm.s32 @p1 $0x1  }
0x15: {  	[smem:$0x3F98] =	sst s0;
	s0 =	simm.s32 @!p2 $0x0  }
0x16: {  	s3 =	sld [smem:$0x3FDB];
	s0 =	simm.s32 @p2 $0x1  }
0x17: {  	s4 =	simm.s32 $0x1BF5;
	[smem:$0x3F9A] =	sst s0  }
0x18: {  	s0 =	sld [smem:$0x3F7D];
	_ =	swait.ge [sflag:s4], $0x0  }
0x19: {  	s7 =	sld [smem:$0x3F7E]  }
0x1a: {  	s8 =	sadd.s32 $0xFFFFE003, lr  }
0x1b: {  	s9 =	sadd.s32 $0xFFFFFEF7, lr;
	s5 =	simm.s32 $0xFFFFFFFF;
	p2 =	slt.u32 s8, $0xFFFFF086  }
0x1c: {  	p1 =	slt.u32 s9, $0xF7A;
	s5 =	simm.s32 @!p2 $0x0  }
0x1d: {  	s5 =	simm.s32 @p1 $0x1;
	p0 =	seq.s32 s7, s2  }
0x1e: {  	s7 =	smul.u32 @!p0 $0xF7A, s2;
	p2 =	seq.s32 @!p0 s5, $0x0  }
0x1f: {  	s9 =	smul.u32 $0xF7A, s1;
	s8 =	simm.s32 @!p0 $0x1BF5;
	p2 =	por !p2, p0  }
0x20: {  	[sflag:s8] =	ssyncset.s32 @!p0 $0xFFFFF086;
	s6 =	sadd.s32 @!p0 s3, s7;
	s7 =	simm.s32 @!p0 $0x108  }
0x21: {  	s3 =	sadd.s32 s3, s9;
	s6 =	sadd.s32 @!p0 $0x88, s6;
	s7 =	simm.s32 @p2 $0x1082  }
0x22: {  	[simem:s7], [sflag:s8] =	dma.local @!p0 [hbm:s6], $0xF7A  }
0x23: {  	s9 =	sor.u32 $0xD0000000, s2;
	s6 =	simm.s32 $0x108;
	_ =	swait.ge @!p0 [sflag:s8], $0x0  }
0x24: {  	s3 =	sadd.s32 $0x88, s3;
	s6 =	simm.s32 @!p1 $0x1082;
	[sflag:s4] =	ssyncset.s32 $0xFFFFF086  }
0x25: {  	[simem:s6], [sflag:s4] =	dma.local [hbm:s3], $0xF7A  }
0x26: {  	[smem:$0x3F7E] =	sst s1;
	(tag) =	ssettag s2;
	_ =	strace s9  }
0x27: {  	s1 =	sld [smem:$0x3F8E]  }
0x28: {  	s2 =	sld [smem:$0x3F8F]  }
0x29: {  	s4 =	sld [smem:$0x3F91]  }
0x2a: {  	p0 =	seq.s32 s5, $0x0;
	s5 =	sld [smem:$0x3F92]  }
0x2b: {  	s6 =	sld [smem:$0x3F93]  }
0x2c: {  	s7 =	sld [smem:$0x3F94]  }
0x2d: {  	s3 =	simm.s32 $0x108;
	s8 =	sld [smem:$0x3F95]  }
0x2e: {  	s3 =	simm.s32 @!p0 $0x1082;
	s9 =	sld [smem:$0x3F96]  }
0x2f: {  	lr =	sadd.s32 s0, s3;
	s0 =	sld [smem:$0x3F8D]  }
0x30: {  	s3 =	sld [smem:$0x3F90]  }
0x31: {  	[smem:$0x3F99] =	sst s10  }
0x32: {  	s10 =	sld [smem:$0x3F97];
	_ =	sdelay $0x3  }
0x33: {  	p0 =	seq.s32 s10, $0x1;
	s10 =	sld [smem:$0x3F99];
	_ =	sdelay $0x3  }
0x34: {  	[smem:$0x3F99] =	sst s10  }
0x35: {  	s10 =	sld [smem:$0x3F98];
	_ =	sdelay $0x3  }
0x36: {  	p1 =	seq.s32 s10, $0x1;
	s10 =	sld [smem:$0x3F99];
	_ =	sdelay $0x3  }
0x37: {  	[smem:$0x3F99] =	sst s10  }
0x38: {  	s10 =	sld [smem:$0x3F9A]  }
0x39: {  	_ = 	snop;
	(pc) =	sbr.ind lr, $3  }
0x3a: {  	_ = 	snop  }
0x3b: {  	_ = 	snop  }
0x3c: {  	p2 =	seq.s32 s10, $0x1;
	s10 =	sld [smem:$0x3F99]  }
0x3d: {  	_ =	shalt  }
0x3e: {  	_ =	shalt  }
0x3f: {  	_ =	shalt  }
0x40: {  	_ =	shalt  }
0x41: {  	_ =	shalt  }
0x42: {  	_ =	shalt  }
0x43: {  	_ =	shalt  }
0x44: {  	_ =	shalt  }
0x45: {  	_ =	shalt  }
0x46: {  	_ =	shalt  }
0x47: {  	_ =	shalt  }
0x48: {  	_ =	shalt  }
0x49: {  	_ =	shalt  }
0x4a: {  	_ =	shalt  }
0x4b: {  	_ =	shalt  }
0x4c: {  	_ =	shalt  }
0x4d: {  	_ =	shalt  }
0x4e: {  	_ =	shalt  }
0x4f: {  	_ =	shalt  }
0x50: {  	_ =	shalt  }
0x51: {  	_ =	shalt  }
0x52: {  	_ =	shalt  }
0x53: {  	_ =	shalt  }
0x54: {  	_ =	shalt  }
0x55: {  	_ =	shalt  }
0x56: {  	_ =	shalt  }
0x57: {  	_ =	shalt  }
0x58: {  	_ =	shalt  }
0x59: {  	_ =	shalt  }
0x5a: {  	_ =	shalt  }
0x5b: {  	_ =	shalt  }
0x5c: {  	_ =	shalt  }
0x5d: {  	_ =	shalt  }
0x5e: {  	_ =	shalt  }
0x5f: {  	_ =	shalt  }
0x60: {  	_ =	shalt  }
0x61: {  	_ =	shalt  }
0x62: {  	_ =	shalt  }
0x63: {  	_ =	shalt  }
0x64: {  	_ =	shalt  }
0x65: {  	_ =	shalt  }
0x66: {  	_ =	shalt  }
0x67: {  	_ =	shalt  }
0x68: {  	_ =	shalt  }
0x69: {  	_ =	shalt  }
0x6a: {  	_ =	shalt  }
0x6b: {  	_ =	shalt  }
0x6c: {  	_ =	shalt  }
0x6d: {  	_ =	shalt  }
0x6e: {  	_ =	shalt  }
0x6f: {  	_ =	shalt  }
0x70: {  	_ =	shalt  }
0x71: {  	_ =	shalt  }
0x72: {  	_ =	shalt  }
0x73: {  	_ =	shalt  }
0x74: {  	_ =	shalt  }
0x75: {  	_ =	shalt  }
0x76: {  	_ =	shalt  }
0x77: {  	_ =	shalt  }
0x78: {  	_ =	shalt  }
0x79: {  	_ =	shalt  }
0x7a: {  	_ =	shalt  }
0x7b: {  	_ =	shalt  }
0x7c: {  	_ =	shalt  }
0x7d: {  	_ =	shalt  }
0x7e: {  	_ =	shalt  }
0x7f: {  	_ =	shalt  }
0x80: {  	_ =	shalt  }
0x81: {  	_ =	shalt  }
0x82: {  	_ =	shalt  }
0x83: {  	_ =	shalt  }
0x84: {  	_ =	shalt  }
0x85: {  	_ =	shalt  }
0x86: {  	_ =	shalt  }
0x87: {  	_ =	shalt  }
.Lfunc_end0:
.L_simem_size_0:
called_computation_lowered:
.L_overlay_start_0:
0x88: {  	s2 =	sld [smem:$0x3FD9]  }
0x89: {  	s3 =	sld [smem:$0x3FFE];
	_ =	sdelay $0x1  }
0x8a: {  	s1 =	srdreg.scid  }
0x8b: {  	s0 =	sand.u32 $0x1, s1  }
0x8c: {  	s17 =	sshll.u32 s0, $0xA;
	s2 =	sadd.s32 s3, s2  }
0x8d: {  	s2 =	sadd.s32 s2, s17  }
0x8e: {  	[smem:$0x3FA5] =	sst s2  }
0x8f: {  	_ = 	snop  }
0x90: {  	s2 =	sld [smem:$0x3FC9];
	(tm) =	ssettm $0x1  }
0x91: {  	s18 =	sld [smem:$0x3FFB];
	_ =	sdelay $0x3  }
0x92: {  	_ =	strace s18  }
0x93: {  	s3 =	sld [smem:$0x3FFC];
	_ =	sdelay $0x3  }
0x94: {  	_ =	strace s3  }
0x95: {  	s3 =	sld [smem:$0x3FFD];
	_ =	sdelay $0x3  }
0x96: {  	_ =	strace s3  }
0x97: {  	_ =	strace $0x8FFFFFFF  }
0x98: {  	s19 =	sld [smem:$0x3FDB];
	_ =	sdelay $0x1  }
0x99: {  	s4 =	simm.s32 $_scs_section_size  }
0x9a: {  	s5 =	simm.s32 $_size__tile_overlayer_lowered;
	s6 =	simm.s32 $_tile_overlayer_lowered  }
0x9b: {  	s22 =	simm.s32 $0x1BFF;
	s21 =	sshll.u32 s6, $0x1;
	s3 =	sadd.s32 s4, s19  }
0x9c: {  	s7 =	simm.s32 $0x0;
	s20 =	sshll.u32 s5, $0x1;
	s5 =	sadd.s32 s21, s3  }
0x9d: {  	[timem:s7], [sflag:s22] =	dma.local [hbm:s5], s20  }
0x9e: {  	_ =	swait.ge [sflag:s22], s20  }
0x9f: {  	s4 =	ssub.s32 $0x0, s20;
	[sflag:s22] =	ssyncset.done $0x0  }
0xa0: {  	[sflag:s22] =	ssyncadd.s32 s4;
	_ =	sdelay $0x1  }
0xa1: {  	s23 =	simm.s32 $0x1B8B  }
0xa2: {  	_ =	swait.ge [sflag:s23], $0x1  }
0xa3: {  	[sflag:s23] =	ssyncset.done $0x0  }
0xa4: {  	s25 =	simm.s32 $0x1B8E;
	s24 =	sld [smem:$0x3FFE];
	[sflag:s23] =	ssyncadd.s32 $0xFFFFFFFF  }
0xa5: {  	s26 =	simm.s32 $execute0_lowered;
	[smem:$0x3FD2] =	sst s25  }
0xa6: {  	s5 =	sshll.u32 s26, $0x1;
	_ =	strace $0x80000046;
	[dreg:$0x1] =	wrdreg $0xFFFFFFFF  }
0xa7: {  	s28 =	simm.s32 $_size_execute0_lowered;
	s3 =	sadd.s32 s3, s5;
	[dreg:$0x0] =	wrdreg $0x0  }
0xa8: {  	s5 =	sshll.u32 s28, $0x1;
	[dreg:$0x2] =	wrdreg s3  }
0xa9: {  	[dreg:$0x3] =	wrdreg s5  }
0xaa: {  	[dreg:$0x4] =	wrdreg $0xC0  }
0xab: {  	_ =	task [dreg:s7], $0x5FFFF  }
0xac: {  	[dreg:$0x1] =	wrdreg $0xFFFFFFFF  }
0xad: {  	[dreg:$0x0] =	wrdreg $0x60  }
0xae: {  	[dreg:$0x2] =	wrdreg s2  }
0xaf: {  	[dreg:$0x3] =	wrdreg s24  }
0xb0: {  	[dreg:$0x4] =	wrdreg $0xB0000  }
0xb1: {  	[dreg:$0x5] =	wrdreg $0x9  }
0xb2: {  	_ =	task.clear_ibuf [dreg:s7], $0x6FFFF;
	_ =	strace $0x90000046  }
0xb3: {  	s29 =	simm.s32 $0x9;
	_ =	strace $0x80000048  }
0xb4: {  	_ =	swait.ge [sflag:s29], $0x1  }
0xb5: {  	[sflag:s29] =	ssyncadd.s32 $0xFFFFFFFF  }
0xb6: {  	_ =	strace $0x90000048  }
0xb7: {  	_ =	sfence  }
0xb8: {  	s30 =	sld [smem:$0x0];
	_ =	sdelay $0x2  }
0xb9: {  	s31 =	sshll.u32 s1, $0xD;
	s1 =	sshrl.u32 s1, $0x2  }
0xba: {  	s3 =	sand.u32 $0x4000, s31;
	s1 =	sadd.s32 s1, s30  }
0xbb: {  	s0 =	sor.u32 s3, s0;
	s1 =	sshll.u32 s1, $0x11  }
0xbc: {  	s0 =	sor.u32 s1, s0  }
0xbd: {  	s0 =	sadd.s32 $0x8F2B, s0  }
0xbe: {  	[sflag:s0] =	ssyncadd.remote.s32 $0x1  }
0xbf: {  	_ =	sfence.sel $0xFFFF  }
0xc0: {  	[dreg:$0x0] =	wrdreg $0xFFFFFFFF;
	(pc) =	sbr.abs _section_cstart, $3  }
0xc1: {  	[dreg:$0x1] =	wrdreg $0xFFFFFFFF  }
0xc2: {  	_ =	task.clear_ibuf [dreg:s7], $0x2FFFF;
	_ =	strace $0x9FFFFFFF  }
0xc3: {  	(tm) =	ssettm $0x7FFFFFFF  }
tec
execute0_lowered:
.L_overlay_start_1:
0x0: {  	(tag) =	ssettag $0x1  }
0x1: {  	s1 =	rddreg [dreg:$0x0]  }
0x2: {  	s5 =	rddreg [dreg:$0x1]  }
0x3: {  	s0 =	srdreg.scid;
	s3 =	rddreg [dreg:$0x2]  }
0x4: {  	s4 =	simm.s32 $0x0;
	s17 =	simm.s32 $0x80;
	s18 =	simm.s32 $0x7000  }
0x5: {  	s19 =	simm.s32 $0x1;
	s20 =	simm.s32 $0x0;
	s10 =	sand.u32 $0x1, s0  }
0x6: {  	s0 =	stileid.u32;
	[smem:$0x7FF] =	sst s4;
	s12 =	sadd.s32 $0x22A00, s5  }
0x7: {  	s16 =	sadd.s32 $0x138000, s3;
	s2 =	sshll.u32 s10, $0x4;
	s7 =	smul.u32 $0x4E000, s0  }
0x8: {  	s8 =	ssub.s32 $0x2, s10;
	s11 =	smul.u32 $0x13800, s0;
	s31 =	sshll.u32 s0, $0x6  }
0x9: {  	s15 =	smul.u32 $0x138800, s10;
	p0 =	seq.s32 s10, $0x0;
	s10 =	simm.s32 $0x6F  }
0xa: {  	s6 =	sor.u32 s0, s2;
	s2 =	rddreg [dreg:$0x3];
	_ =	strace $0x80000047  }
0xb: {  	s28 =	sshrl.u32 s8, $0x1;
	s10 =	simm.s32 @!p0 $0x2F;
	p0 =	sne.s32 s0, $0xF  }
0xc: {  	s6 =	smul.u32 $0x700, s6;
	s13 =	ssub.s32 s8, s28;
	s29 =	sshrl.u32 s7, $0x2  }
0xd: {  	s30 =	sshrl.u32 s11, $0x3;
	s7 =	sadd.s32 $0x27000, s1;
	s11 =	sadd.s32 s11, s15  }
0xe: {  	s15 =	sshrl.u32 s15, $0x3;
	s16 =	sshrl.u32 @!p0 s16, $0x3;
	s14 =	sadd.s32 s29, s3  }
0xf: {  	s11 =	sshrl.u32 s11, $0x3;
	s15 =	sadd.s32 s12, s15;
	s13 =	smax.u32 s13, $0x1  }
0x10: {  	s9 =	sadd.s32 s6, s5;
	s5 =	sadd.s32 s1, s30;
	s6 =	sor.u32 $0x1C02, s31  }
0x11: {  	s11 =	sadd.s32 s12, s11;
	s12 =	sadd.s32 $0x27000, s15;
	s14 =	sshrl.u32 s14, $0x3  }
0x12: {  	s15 =	simm.s32 $0x2;
	s8 =	sadd.s32 $0x6A00, s9;
	s9 =	sadd.s32 $0x14A00, s9  }
.LBB2_1:
0x13: {  	[spmem:s14], [sflag:s6] =	dma.local [hbm:s5], $0x2700  }
0x14: {  	_ =	swait.ge [sflag:s15], $0x2700  }
0x15: {  	[sflag:s15] =	ssyncset.done $0x0  }
0x16: {  	s21 =	simm.s32 @!p0 $0x2;
	[sflag:s15] =	ssyncadd.s32 $0xFFFFD900  }
0x17: {  	[spmem:s16], [sflag:s6] =	dma.local @!p0 [hbm:s7], $0x100  }
0x18: {  	_ =	swait.ge @!p0 [sflag:s21], $0x100  }
0x19: {  	[sflag:s21] =	ssyncset.done @!p0 $0x0  }
0x1a: {  	[sflag:s21] =	ssyncadd.s32 @!p0 $0xFFFFFF00  }
0x1b: {  	[bflag:$0x0] =	sbarrier.arrive $0xFFFF  }
0x1c: {  	[tilespmem:s4], [sflag:$0x2] =	stream.linear.gather [hbm4b:s8+s4], $0x3780, $0x38;
	[tilespmem:$0x1E900] =	vst v63  }
0x1d: {  	_ =	swait.ge [sflag:s15], $0x3780  }
0x1e: {  	[sflag:s15] =	ssyncset.done $0x0  }
0x1f: {  	s22 =	simm.s32 $0x3800;
	[sflag:s15] =	ssyncadd.s32 $0xFFFFC880  }
0x20: {  	[tilespmem:s22], [sflag:$0x2] =	stream.linear.gather [hbm4b:s9+s4], $0x3780, $0x38;
	[tilespmem:$0x1E900] =	vst v63  }
0x21: {  	_ =	swait.ge [sflag:s15], $0x3780  }
0x22: {  	[sflag:s15] =	ssyncset.done $0x0  }
0x23: {  	[sflag:s15] =	ssyncadd.s32 $0xFFFFC880  }
0x24: {  	[tilespmem:s18], [sflag:$0x1] =	stream.indirect.gather [hbm4b:s1+s17], $0x80, s4, s17, $0xb8;
	[tilespmem:$0x1E900] =	vst v63  }
0x25: {  	p1 =	sne.s32 s10, $0x1;
	_ =	swait.ge [sflag:s19], $0x4000  }
.Ltmp0:
0x26: {  	[sflag:s19] =	ssyncset.done $0x0;
	(pc) =	sbr.rel @!p1 .LBB2_3-.Ltmp0, $4  }
0x27: {  	[sflag:s19] =	ssyncadd.s32 $0xFFFFC000  }
0x28: {  	[spmem:s3] =	stream.indirect.scatter.add.f32 [tilespmem:s18], [sflag:$0x2], $0x80, s22, s17, $0xb8;
	[tilespmem:$0x1E900] =	vst v63  }
0x29: {  	_ =	swait.ge [sflag:s15], $0x4000  }
0x2a: {  	s23 =	sadd.s32 $0xFFFFFFFF, s10;
	s24 =	simm.s32 $0x0;
	[sflag:s15] =	ssyncset.done $0x0  }
.LBB2_2:
0x2b: {  	[sflag:s15] =	ssyncadd.s32 $0xFFFFC000;
	s24 =	sadd.s32 $0x80, s24;
	s22 =	sadd.s32 $0x80, s22  }
0x2c: {  	[tilespmem:s18], [sflag:$0x1] =	stream.indirect.gather [hbm4b:s1+s17], $0x80, s24, s17, $0xb8;
	[tilespmem:$0x1E900] =	vst v63  }
0x2d: {  	p1 =	sne.s32 s23, $0x1;
	s23 =	sadd.s32 $0xFFFFFFFF, s23;
	_ =	swait.ge [sflag:s19], $0x4000  }
.Ltmp1:
0x2e: {  	[sflag:s19] =	ssyncset.done $0x0;
	(pc) =	sbr.rel @p1 .LBB2_2-.Ltmp1, $4  }
0x2f: {  	[sflag:s19] =	ssyncadd.s32 $0xFFFFC000  }
0x30: {  	[spmem:s3] =	stream.indirect.scatter.add.f32 [tilespmem:s18], [sflag:$0x2], $0x80, s22, s17, $0xb8;
	[tilespmem:$0x1E900] =	vst v63  }
0x31: {  	_ =	swait.ge [sflag:s15], $0x4000  }
0x32: {  	[sflag:s15] =	ssyncset.done $0x0  }
.LBB2_3:
0x33: {  	[sflag:s15] =	ssyncadd.s32 $0xFFFFC000  }
0x34: {  	[bflag:$0x0] =	sbarrier.arrive $0xFFFF  }
0x35: {  	[hbm:s11], [sflag:s6] =	dma.local [spmem:s14], $0x2700  }
0x36: {  	s20 =	sadd.s32 $0x1, s20;
	_ =	swait.ge [sflag:s15], $0x2700  }
0x37: {  	p1 =	sne.s32 s20, s13;
	[sflag:s15] =	ssyncset.done $0x0  }
.Ltmp2:
0x38: {  	[sflag:s15] =	ssyncadd.s32 $0xFFFFD900;
	(pc) =	sbr.rel @p1 .LBB2_1-.Ltmp2, $4  }
0x39: {  	[hbm:s12], [sflag:s6] =	dma.local @!p0 [spmem:s16], $0x100  }
0x3a: {  	_ =	swait.ge @!p0 [sflag:s21], $0x100  }
0x3b: {  	[sflag:s21] =	ssyncset.done @!p0 $0x0  }
0x3c: {  	[sflag:s21] =	ssyncadd.s32 @!p0 $0xFFFFFF00  }
0x3d: {  	_ =	sfence.sel $0x180000  }
0x3e: {  	[bflag:$0x0] =	sbarrier.arrive $0xFFFF  }
0x3f: {  	p0 =	sne.s32 s0, $0x0;
	_ =	strace $0x90000047  }
0x40: {  	s0 =	sadd.s32 @!p0 $0x100000, s2;
	[bflag:$0x2] =	sbarrier.arrive $0xFFFF  }
0x41: {  	[sflag:s0] =	ssyncadd.tile.s32 @!p0 $0x1;
	_ =	shalt  }
.Lfunc_end2:
_tile_overlayer_lowered:
.L_overlay_start_2:
0x42: {  	(tag) =	ssettag $0x2  }
0x43: {  	s0 =	rddreg [dreg:$0x0];
	s2 =	stileid.u32  }
0x44: {  	s1 =	rddreg [dreg:$0x1];
	p0 =	sne.s32 s2, $0x0  }
0x45: {  	s3 =	rddreg [dreg:$0x2];
	[bflag:$0x3] =	sbarrier.arrive $0xFFFF;
	s2 =	simm.s32 @!p0 $0x1C02  }
0x46: {  	[timem:s3], [sflag:s2] =	dma.local @!p0 [hbm:s0], s1  }
0x47: {  	s0 =	simm.s32 @!p0 $0x2  }
0x48: {  	_ =	swait.ge @!p0 [sflag:s0], s1  }
0x49: {  	s1 =	ssub.s32 @!p0 $0x0, s1;
	[sflag:s0] =	ssyncset.done @!p0 $0x0  }
0x4a: {  	[sflag:s0] =	ssyncadd.s32 @!p0 s1  }
0x4b: {  	[bflag:$0x3] =	sbarrier.arrive $0xFFFF  }
0x4c: {  	_ =	shalt  }

// kernel: kernel.14.cloned.1.call-start
scs
__scs_entry_jumppad:
0x0: {  	(pc) =	sbr.rel $0x88, $3  }
0x1: {  	(tag) =	ssettag $0x0;
	lr =	simm.s32 $0x1  }
0x2: {  	[smem:$0x3F7E] =	sst lr;
	_ =	strace $0xD0000000  }
0x3: {  	_ = 	snop  }
0x4: {  	_ = 	snop  }
0x5: {  	_ = 	snop  }
0x6: {  	_ = 	snop  }
0x7: {  	_ = 	snop  }
__scs_overlays_trampoline_lowered:
0x8: {  	[smem:$0x3F8D] =	sst s0  }
0x9: {  	[smem:$0x3F8E] =	sst s1  }
0xa: {  	[smem:$0x3F8F] =	sst s2  }
0xb: {  	[smem:$0x3F90] =	sst s3  }
0xc: {  	[smem:$0x3F91] =	sst s4  }
0xd: {  	[smem:$0x3F92] =	sst s5  }
0xe: {  	[smem:$0x3F93] =	sst s6  }
0xf: {  	[smem:$0x3F94] =	sst s7  }
0x10: {  	[smem:$0x3F95] =	sst s8  }
0x11: {  	[smem:$0x3F96] =	sst s9;
	s0 =	simm.s32 @!p0 $0x0  }
0x12: {  	s1 =	sld [smem:$0x3F7C];
	s0 =	simm.s32 @p0 $0x1  }
0x13: {  	[smem:$0x3F97] =	sst s0;
	s0 =	simm.s32 @!p1 $0x0  }
0x14: {  	s2 =	sld [smem:$0x3F7B];
	s0 =	simm.s32 @p1 $0x1  }
0x15: {  	[smem:$0x3F98] =	sst s0;
	s0 =	simm.s32 @!p2 $0x0  }
0x16: {  	s3 =	sld [smem:$0x3FDB];
	s0 =	simm.s32 @p2 $0x1  }
0x17: {  	s4 =	simm.s32 $0x1BF5;
	[smem:$0x3F9A] =	sst s0  }
0x18: {  	s0 =	sld [smem:$0x3F7D];
	_ =	swait.ge [sflag:s4], $0x0  }
0x19: {  	s7 =	sld [smem:$0x3F7E]  }
0x1a: {  	s8 =	sadd.s32 $0xFFFFE003, lr  }
0x1b: {  	s9 =	sadd.s32 $0xFFFFFEF7, lr;
	s5 =	simm.s32 $0xFFFFFFFF;
	p2 =	slt.u32 s8, $0xFFFFF086  }
0x1c: {  	p1 =	slt.u32 s9, $0xF7A;
	s5 =	simm.s32 @!p2 $0x0  }
0x1d: {  	s5 =	simm.s32 @p1 $0x1;
	p0 =	seq.s32 s7, s2  }
0x1e: {  	s7 =	smul.u32 @!p0 $0xF7A, s2;
	p2 =	seq.s32 @!p0 s5, $0x0  }
0x1f: {  	s9 =	smul.u32 $0xF7A, s1;
	s8 =	simm.s32 @!p0 $0x1BF5;
	p2 =	por !p2, p0  }
0x20: {  	[sflag:s8] =	ssyncset.s32 @!p0 $0xFFFFF086;
	s6 =	sadd.s32 @!p0 s3, s7;
	s7 =	simm.s32 @!p0 $0x108  }
0x21: {  	s3 =	sadd.s32 s3, s9;
	s6 =	sadd.s32 @!p0 $0x88, s6;
	s7 =	simm.s32 @p2 $0x1082  }
0x22: {  	[simem:s7], [sflag:s8] =	dma.local @!p0 [hbm:s6], $0xF7A  }
0x23: {  	s9 =	sor.u32 $0xD0000000, s2;
	s6 =	simm.s32 $0x108;
	_ =	swait.ge @!p0 [sflag:s8], $0x0  }
0x24: {  	s3 =	sadd.s32 $0x88, s3;
	s6 =	simm.s32 @!p1 $0x1082;
	[sflag:s4] =	ssyncset.s32 $0xFFFFF086  }
0x25: {  	[simem:s6], [sflag:s4] =	dma.local [hbm:s3], $0xF7A  }
0x26: {  	[smem:$0x3F7E] =	sst s1;
	(tag) =	ssettag s2;
	_ =	strace s9  }
0x27: {  	s1 =	sld [smem:$0x3F8E]  }
0x28: {  	s2 =	sld [smem:$0x3F8F]  }
0x29: {  	s4 =	sld [smem:$0x3F91]  }
0x2a: {  	p0 =	seq.s32 s5, $0x0;
	s5 =	sld [smem:$0x3F92]  }
0x2b: {  	s6 =	sld [smem:$0x3F93]  }
0x2c: {  	s7 =	sld [smem:$0x3F94]  }
0x2d: {  	s3 =	simm.s32 $0x108;
	s8 =	sld [smem:$0x3F95]  }
0x2e: {  	s3 =	simm.s32 @!p0 $0x1082;
	s9 =	sld [smem:$0x3F96]  }
0x2f: {  	lr =	sadd.s32 s0, s3;
	s0 =	sld [smem:$0x3F8D]  }
0x30: {  	s3 =	sld [smem:$0x3F90]  }
0x31: {  	[smem:$0x3F99] =	sst s10  }
0x32: {  	s10 =	sld [smem:$0x3F97];
	_ =	sdelay $0x3  }
0x33: {  	p0 =	seq.s32 s10, $0x1;
	s10 =	sld [smem:$0x3F99];
	_ =	sdelay $0x3  }
0x34: {  	[smem:$0x3F99] =	sst s10  }
0x35: {  	s10 =	sld [smem:$0x3F98];
	_ =	sdelay $0x3  }
0x36: {  	p1 =	seq.s32 s10, $0x1;
	s10 =	sld [smem:$0x3F99];
	_ =	sdelay $0x3  }
0x37: {  	[smem:$0x3F99] =	sst s10  }
0x38: {  	s10 =	sld [smem:$0x3F9A]  }
0x39: {  	_ = 	snop;
	(pc) =	sbr.ind lr, $3  }
0x3a: {  	_ = 	snop  }
0x3b: {  	_ = 	snop  }
0x3c: {  	p2 =	seq.s32 s10, $0x1;
	s10 =	sld [smem:$0x3F99]  }
0x3d: {  	_ =	shalt  }
0x3e: {  	_ =	shalt  }
0x3f: {  	_ =	shalt  }
0x40: {  	_ =	shalt  }
0x41: {  	_ =	shalt  }
0x42: {  	_ =	shalt  }
0x43: {  	_ =	shalt  }
0x44: {  	_ =	shalt  }
0x45: {  	_ =	shalt  }
0x46: {  	_ =	shalt  }
0x47: {  	_ =	shalt  }
0x48: {  	_ =	shalt  }
0x49: {  	_ =	shalt  }
0x4a: {  	_ =	shalt  }
0x4b: {  	_ =	shalt  }
0x4c: {  	_ =	shalt  }
0x4d: {  	_ =	shalt  }
0x4e: {  	_ =	shalt  }
0x4f: {  	_ =	shalt  }
0x50: {  	_ =	shalt  }
0x51: {  	_ =	shalt  }
0x52: {  	_ =	shalt  }
0x53: {  	_ =	shalt  }
0x54: {  	_ =	shalt  }
0x55: {  	_ =	shalt  }
0x56: {  	_ =	shalt  }
0x57: {  	_ =	shalt  }
0x58: {  	_ =	shalt  }
0x59: {  	_ =	shalt  }
0x5a: {  	_ =	shalt  }
0x5b: {  	_ =	shalt  }
0x5c: {  	_ =	shalt  }
0x5d: {  	_ =	shalt  }
0x5e: {  	_ =	shalt  }
0x5f: {  	_ =	shalt  }
0x60: {  	_ =	shalt  }
0x61: {  	_ =	shalt  }
0x62: {  	_ =	shalt  }
0x63: {  	_ =	shalt  }
0x64: {  	_ =	shalt  }
0x65: {  	_ =	shalt  }
0x66: {  	_ =	shalt  }
0x67: {  	_ =	shalt  }
0x68: {  	_ =	shalt  }
0x69: {  	_ =	shalt  }
0x6a: {  	_ =	shalt  }
0x6b: {  	_ =	shalt  }
0x6c: {  	_ =	shalt  }
0x6d: {  	_ =	shalt  }
0x6e: {  	_ =	shalt  }
0x6f: {  	_ =	shalt  }
0x70: {  	_ =	shalt  }
0x71: {  	_ =	shalt  }
0x72: {  	_ =	shalt  }
0x73: {  	_ =	shalt  }
0x74: {  	_ =	shalt  }
0x75: {  	_ =	shalt  }
0x76: {  	_ =	shalt  }
0x77: {  	_ =	shalt  }
0x78: {  	_ =	shalt  }
0x79: {  	_ =	shalt  }
0x7a: {  	_ =	shalt  }
0x7b: {  	_ =	shalt  }
0x7c: {  	_ =	shalt  }
0x7d: {  	_ =	shalt  }
0x7e: {  	_ =	shalt  }
0x7f: {  	_ =	shalt  }
0x80: {  	_ =	shalt  }
0x81: {  	_ =	shalt  }
0x82: {  	_ =	shalt  }
0x83: {  	_ =	shalt  }
0x84: {  	_ =	shalt  }
0x85: {  	_ =	shalt  }
0x86: {  	_ =	shalt  }
0x87: {  	_ =	shalt  }
.Lfunc_end0:
.L_simem_size_0:
called_computation.1_lowered:
.L_overlay_start_0:
0x88: {  	s2 =	sld [smem:$0x3FD9]  }
0x89: {  	s3 =	sld [smem:$0x3FFE];
	_ =	sdelay $0x1  }
0x8a: {  	s1 =	srdreg.scid  }
0x8b: {  	s0 =	sand.u32 $0x1, s1  }
0x8c: {  	s16 =	sshll.u32 s0, $0xA;
	s2 =	sadd.s32 s3, s2  }
0x8d: {  	s2 =	sadd.s32 s2, s16  }
0x8e: {  	[smem:$0x3FA5] =	sst s2  }
0x8f: {  	_ = 	snop  }
0x90: {  	(tm) =	ssettm $0x1  }
0x91: {  	s17 =	sld [smem:$0x3FFB];
	_ =	sdelay $0x3  }
0x92: {  	_ =	strace s17  }
0x93: {  	s2 =	sld [smem:$0x3FFC];
	_ =	sdelay $0x3  }
0x94: {  	_ =	strace s2  }
0x95: {  	s2 =	sld [smem:$0x3FFD];
	_ =	sdelay $0x3  }
0x96: {  	_ =	strace s2  }
0x97: {  	_ =	strace $0x8FFFFFFF  }
0x98: {  	s18 =	sld [smem:$0x3FDB];
	_ =	sdelay $0x1  }
0x99: {  	s19 =	simm.s32 $_scs_section_size  }
0x9a: {  	s4 =	simm.s32 $_size__tile_overlayer_lowered;
	s5 =	simm.s32 $_tile_overlayer_lowered  }
0x9b: {  	s22 =	simm.s32 $0x1BFF;
	s21 =	sshll.u32 s5, $0x1;
	s2 =	sadd.s32 s19, s18  }
0x9c: {  	s6 =	simm.s32 $0x0;
	s20 =	sshll.u32 s4, $0x1;
	s4 =	sadd.s32 s21, s2  }
0x9d: {  	[timem:s6], [sflag:s22] =	dma.local [hbm:s4], s20  }
0x9e: {  	_ =	swait.ge [sflag:s22], s20  }
0x9f: {  	s3 =	ssub.s32 $0x0, s20;
	[sflag:s22] =	ssyncset.done $0x0  }
0xa0: {  	[sflag:s22] =	ssyncadd.s32 s3;
	_ =	sdelay $0x1  }
0xa1: {  	s23 =	simm.s32 $0x1B8B  }
0xa2: {  	_ =	swait.ge [sflag:s23], $0x1  }
0xa3: {  	[sflag:s23] =	ssyncset.done $0x0  }
0xa4: {  	s25 =	simm.s32 $0x1B8E;
	s24 =	sld [smem:$0x3FFE];
	[sflag:s23] =	ssyncadd.s32 $0xFFFFFFFF  }
0xa5: {  	s26 =	simm.s32 $execute0_lowered;
	[smem:$0x3FD2] =	sst s25  }
0xa6: {  	s4 =	sshll.u32 s26, $0x1;
	_ =	strace $0x80000049;
	[dreg:$0x1] =	wrdreg $0xFFFFFFFF  }
0xa7: {  	s28 =	simm.s32 $_size_execute0_lowered;
	s2 =	sadd.s32 s2, s4;
	[dreg:$0x0] =	wrdreg $0x0  }
0xa8: {  	s4 =	sshll.u32 s28, $0x1;
	[dreg:$0x2] =	wrdreg s2  }
0xa9: {  	[dreg:$0x3] =	wrdreg s4  }
0xaa: {  	[dreg:$0x4] =	wrdreg $0xC0  }
0xab: {  	_ =	task [dreg:s6], $0x5FFFF  }
0xac: {  	[dreg:$0x1] =	wrdreg $0xFFFFFFFF  }
0xad: {  	[dreg:$0x0] =	wrdreg $0x60  }
0xae: {  	[dreg:$0x2] =	wrdreg s24  }
0xaf: {  	[dreg:$0x3] =	wrdreg $0xB0000  }
0xb0: {  	[dreg:$0x4] =	wrdreg $0x9  }
0xb1: {  	_ =	task.clear_ibuf [dreg:s6], $0x5FFFF;
	_ =	strace $0x90000049  }
0xb2: {  	s29 =	simm.s32 $0x9;
	_ =	strace $0x8000004B  }
0xb3: {  	_ =	swait.ge [sflag:s29], $0x1  }
0xb4: {  	[sflag:s29] =	ssyncadd.s32 $0xFFFFFFFF  }
0xb5: {  	_ =	strace $0x9000004B  }
0xb6: {  	_ =	sfence  }
0xb7: {  	s30 =	sld [smem:$0x0];
	_ =	sdelay $0x2  }
0xb8: {  	s31 =	sshll.u32 s1, $0xD;
	s1 =	sshrl.u32 s1, $0x2  }
0xb9: {  	s3 =	sand.u32 $0x4000, s31;
	s1 =	sadd.s32 s1, s30  }
0xba: {  	s0 =	sor.u32 s3, s0;
	s1 =	sshll.u32 s1, $0x11  }
0xbb: {  	s0 =	sor.u32 s1, s0  }
0xbc: {  	s0 =	sadd.s32 $0x8F2B, s0  }
0xbd: {  	[sflag:s0] =	ssyncadd.remote.s32 $0x1  }
0xbe: {  	_ =	sfence.sel $0xFFFF  }
0xbf: {  	[dreg:$0x0] =	wrdreg $0xFFFFFFFF;
	(pc) =	sbr.abs _section_cstart, $3  }
0xc0: {  	[dreg:$0x1] =	wrdreg $0xFFFFFFFF  }
0xc1: {  	_ =	task.clear_ibuf [dreg:s6], $0x2FFFF;
	_ =	strace $0x9FFFFFFF  }
0xc2: {  	(tm) =	ssettm $0x7FFFFFFF  }
0xc3: {  	_ =	shalt  }
tec
execute0_lowered:
.L_overlay_start_1:
0x0: {  	(tag) =	ssettag $0x1  }
0x1: {  	s0 =	srdreg.scid;
	s7 =	rddreg [dreg:$0x0]  }
0x2: {  	s2 =	rddreg [dreg:$0x1];
	s1 =	stileid.u32  }
0x3: {  	s3 =	simm.s32 $0x0;
	s17 =	simm.s32 $0x80;
	s18 =	simm.s32 $0x7000  }
0x4: {  	s19 =	simm.s32 $0x1;
	s10 =	sand.u32 $0x1, s0;
	s0 =	rddreg [dreg:$0x2]  }
0x5: {  	s20 =	simm.s32 $0x0;
	[smem:$0x7FF] =	sst s3;
	s6 =	smul.u32 $0x4E000, s1  }
0x6: {  	s11 =	smul.u32 $0x13800, s1;
	s12 =	sadd.s32 $0x49C00, s7;
	s31 =	sshll.u32 s1, $0x6  }
0x7: {  	s16 =	sadd.s32 $0x138000, s2;
	s4 =	sshll.u32 s10, $0x4;
	_ =	strace $0x8000004A  }
0x8: {  	s8 =	ssub.s32 $0x2, s10;
	s15 =	smul.u32 $0x138800, s10;
	p0 =	seq.s32 s10, $0x0  }
0x9: {  	s10 =	simm.s32 $0x6F;
	s4 =	sor.u32 s1, s4;
	s28 =	sshrl.u32 s8, $0x1  }
0xa: {  	s29 =	sshrl.u32 s6, $0x2;
	s30 =	sshrl.u32 s11, $0x3;
	s6 =	sor.u32 $0x1C02, s31  }
0xb: {  	s10 =	simm.s32 @!p0 $0x2F;
	p0 =	sne.s32 s1, $0xF;
	s5 =	smul.u32 $0x700, s4  }
0xc: {  	s4 =	sadd.s32 $0x22A00, s7;
	s13 =	ssub.s32 s8, s28;
	s14 =	sadd.s32 s29, s2  }
0xd: {  	s11 =	sadd.s32 s11, s15;
	s15 =	sshrl.u32 s15, $0x3;
	s16 =	sshrl.u32 @!p0 s16, $0x3  }
0xe: {  	s11 =	sshrl.u32 s11, $0x3;
	s15 =	sadd.s32 s12, s15;
	s13 =	smax.u32 s13, $0x1  }
0xf: {  	s14 =	sshrl.u32 s14, $0x3;
	s9 =	sadd.s32 s5, s7;
	s5 =	sadd.s32 s4, s30  }
0x10: {  	s7 =	sadd.s32 $0x49A00, s7;
	s11 =	sadd.s32 s12, s11;
	s12 =	sadd.s32 $0x27000, s15  }
0x11: {  	s15 =	simm.s32 $0x2;
	s8 =	sadd.s32 $0x6A00, s9;
	s9 =	sadd.s32 $0x14A00, s9  }
.LBB2_1:
0x12: {  	[spmem:s14], [sflag:s6] =	dma.local [hbm:s5], $0x2700  }
0x13: {  	_ =	swait.ge [sflag:s15], $0x2700  }
0x14: {  	[sflag:s15] =	ssyncset.done $0x0  }
0x15: {  	s21 =	simm.s32 @!p0 $0x2;
	[sflag:s15] =	ssyncadd.s32 $0xFFFFD900  }
0x16: {  	[spmem:s16], [sflag:s6] =	dma.local @!p0 [hbm:s7], $0x100  }
0x17: {  	_ =	swait.ge @!p0 [sflag:s21], $0x100  }
0x18: {  	[sflag:s21] =	ssyncset.done @!p0 $0x0  }
0x19: {  	[sflag:s21] =	ssyncadd.s32 @!p0 $0xFFFFFF00  }
0x1a: {  	[bflag:$0x0] =	sbarrier.arrive $0xFFFF  }
0x1b: {  	[tilespmem:s3], [sflag:$0x2] =	stream.linear.gather [hbm4b:s8+s3], $0x3780, $0x38;
	[tilespmem:$0x1E900] =	vst v63  }
0x1c: {  	_ =	swait.ge [sflag:s15], $0x3780  }
0x1d: {  	[sflag:s15] =	ssyncset.done $0x0  }
0x1e: {  	s22 =	simm.s32 $0x3800;
	[sflag:s15] =	ssyncadd.s32 $0xFFFFC880  }
0x1f: {  	[tilespmem:s22], [sflag:$0x2] =	stream.linear.gather [hbm4b:s9+s3], $0x3780, $0x38;
	[tilespmem:$0x1E900] =	vst v63  }
0x20: {  	_ =	swait.ge [sflag:s15], $0x3780  }
0x21: {  	[sflag:s15] =	ssyncset.done $0x0  }
0x22: {  	[sflag:s15] =	ssyncadd.s32 $0xFFFFC880  }
0x23: {  	[tilespmem:s18], [sflag:$0x1] =	stream.indirect.gather [hbm4b:s4+s17], $0x80, s3, s17, $0xb8;
	[tilespmem:$0x1E900] =	vst v63  }
0x24: {  	p1 =	sne.s32 s10, $0x1;
	_ =	swait.ge [sflag:s19], $0x4000  }
.Ltmp0:
0x25: {  	[sflag:s19] =	ssyncset.done $0x0;
	(pc) =	sbr.rel @!p1 .LBB2_3-.Ltmp0, $4  }
0x26: {  	[sflag:s19] =	ssyncadd.s32 $0xFFFFC000  }
0x27: {  	[spmem:s2] =	stream.indirect.scatter.add.f32 [tilespmem:s18], [sflag:$0x2], $0x80, s22, s17, $0xb8;
	[tilespmem:$0x1E900] =	vst v63  }
0x28: {  	_ =	swait.ge [sflag:s15], $0x4000  }
0x29: {  	s23 =	sadd.s32 $0xFFFFFFFF, s10;
	s24 =	simm.s32 $0x0;
	[sflag:s15] =	ssyncset.done $0x0  }
.LBB2_2:
0x2a: {  	[sflag:s15] =	ssyncadd.s32 $0xFFFFC000;
	s24 =	sadd.s32 $0x80, s24;
	s22 =	sadd.s32 $0x80, s22  }
0x2b: {  	[tilespmem:s18], [sflag:$0x1] =	stream.indirect.gather [hbm4b:s4+s17], $0x80, s24, s17, $0xb8;
	[tilespmem:$0x1E900] =	vst v63  }
0x2c: {  	p1 =	sne.s32 s23, $0x1;
	s23 =	sadd.s32 $0xFFFFFFFF, s23;
	_ =	swait.ge [sflag:s19], $0x4000  }
.Ltmp1:
0x2d: {  	[sflag:s19] =	ssyncset.done $0x0;
	(pc) =	sbr.rel @p1 .LBB2_2-.Ltmp1, $4  }
0x2e: {  	[sflag:s19] =	ssyncadd.s32 $0xFFFFC000  }
0x2f: {  	[spmem:s2] =	stream.indirect.scatter.add.f32 [tilespmem:s18], [sflag:$0x2], $0x80, s22, s17, $0xb8;
	[tilespmem:$0x1E900] =	vst v63  }
0x30: {  	_ =	swait.ge [sflag:s15], $0x4000  }
0x31: {  	[sflag:s15] =	ssyncset.done $0x0  }
.LBB2_3:
0x32: {  	[sflag:s15] =	ssyncadd.s32 $0xFFFFC000  }
0x33: {  	[bflag:$0x0] =	sbarrier.arrive $0xFFFF  }
0x34: {  	[hbm:s11], [sflag:s6] =	dma.local [spmem:s14], $0x2700  }
0x35: {  	s20 =	sadd.s32 $0x1, s20;
	_ =	swait.ge [sflag:s15], $0x2700  }
0x36: {  	p1 =	sne.s32 s20, s13;
	[sflag:s15] =	ssyncset.done $0x0  }
.Ltmp2:
0x37: {  	[sflag:s15] =	ssyncadd.s32 $0xFFFFD900;
	(pc) =	sbr.rel @p1 .LBB2_1-.Ltmp2, $4  }
0x38: {  	[hbm:s12], [sflag:s6] =	dma.local @!p0 [spmem:s16], $0x100  }
0x39: {  	_ =	swait.ge @!p0 [sflag:s21], $0x100  }
0x3a: {  	[sflag:s21] =	ssyncset.done @!p0 $0x0  }
0x3b: {  	[sflag:s21] =	ssyncadd.s32 @!p0 $0xFFFFFF00  }
0x3c: {  	_ =	sfence.sel $0x180000  }
0x3d: {  	[bflag:$0x0] =	sbarrier.arrive $0xFFFF  }
0x3e: {  	p0 =	sne.s32 s1, $0x0;
	_ =	strace $0x9000004A  }
0x3f: {  	s0 =	sadd.s32 @!p0 $0x100000, s0;
	[bflag:$0x2] =	sbarrier.arrive $0xFFFF  }
0x40: {  	[sflag:s0] =	ssyncadd.tile.s32 @!p0 $0x1;
	_ =	shalt  }
.Lfunc_end2:
_tile_overlayer_lowered:
.L_overlay_start_2:
0x41: {  	(tag) =	ssettag $0x2  }
0x42: {  	s0 =	rddreg [dreg:$0x0];
	s2 =	stileid.u32  }
0x43: {  	s1 =	rddreg [dreg:$0x1];
	p0 =	sne.s32 s2, $0x0  }
0x44: {  	s3 =	rddreg [dreg:$0x2];
	[bflag:$0x3] =	sbarrier.arrive $0xFFFF;
	s2 =	simm.s32 @!p0 $0x1C02  }
0x45: {  	[timem:s3], [sflag:s2] =	dma.local @!p0 [hbm:s0], s1  }
0x46: {  	s0 =	simm.s32 @!p0 $0x2  }
0x47: {  	_ =	swait.ge @!p0 [sflag:s0], s1  }
0x48: {  	s1 =	ssub.s32 @!p0 $0x0, s1;
	[sflag:s0] =	ssyncset.done @!p0 $0x0  }
0x49: {  	[sflag:s0] =	ssyncadd.s32 @!p0 s1  }
0x4a: {  	[bflag:$0x3] =	sbarrier.arrive $0xFFFF  }
0x4b: {  	_ =	shalt  }

// kernel: kernel.17.cloned.1.call-start
scs
__scs_entry_jumppad:
0x0: {  	(pc) =	sbr.rel $0x88, $3  }
0x1: {  	(tag) =	ssettag $0x0;
	lr =	simm.s32 $0x1  }
0x2: {  	[smem:$0x3F7E] =	sst lr;
	_ =	strace $0xD0000000  }
0x3: {  	_ = 	snop  }
0x4: {  	_ = 	snop  }
0x5: {  	_ = 	snop  }
0x6: {  	_ = 	snop  }
0x7: {  	_ = 	snop  }
__scs_overlays_trampoline_lowered:
0x8: {  	[smem:$0x3F8D] =	sst s0  }
0x9: {  	[smem:$0x3F8E] =	sst s1  }
0xa: {  	[smem:$0x3F8F] =	sst s2  }
0xb: {  	[smem:$0x3F90] =	sst s3  }
0xc: {  	[smem:$0x3F91] =	sst s4  }
0xd: {  	[smem:$0x3F92] =	sst s5  }
0xe: {  	[smem:$0x3F93] =	sst s6  }
0xf: {  	[smem:$0x3F94] =	sst s7  }
0x10: {  	[smem:$0x3F95] =	sst s8  }
0x11: {  	[smem:$0x3F96] =	sst s9;
	s0 =	simm.s32 @!p0 $0x0  }
0x12: {  	s1 =	sld [smem:$0x3F7C];
	s0 =	simm.s32 @p0 $0x1  }
0x13: {  	[smem:$0x3F97] =	sst s0;
	s0 =	simm.s32 @!p1 $0x0  }
0x14: {  	s2 =	sld [smem:$0x3F7B];
	s0 =	simm.s32 @p1 $0x1  }
0x15: {  	[smem:$0x3F98] =	sst s0;
	s0 =	simm.s32 @!p2 $0x0  }
0x16: {  	s3 =	sld [smem:$0x3FDB];
	s0 =	simm.s32 @p2 $0x1  }
0x17: {  	s4 =	simm.s32 $0x1BF5;
	[smem:$0x3F9A] =	sst s0  }
0x18: {  	s0 =	sld [smem:$0x3F7D];
	_ =	swait.ge [sflag:s4], $0x0  }
0x19: {  	s7 =	sld [smem:$0x3F7E]  }
0x1a: {  	s8 =	sadd.s32 $0xFFFFE003, lr  }
0x1b: {  	s9 =	sadd.s32 $0xFFFFFEF7, lr;
	s5 =	simm.s32 $0xFFFFFFFF;
	p2 =	slt.u32 s8, $0xFFFFF086  }
0x1c: {  	p1 =	slt.u32 s9, $0xF7A;
	s5 =	simm.s32 @!p2 $0x0  }
0x1d: {  	s5 =	simm.s32 @p1 $0x1;
	p0 =	seq.s32 s7, s2  }
0x1e: {  	s7 =	smul.u32 @!p0 $0xF7A, s2;
	p2 =	seq.s32 @!p0 s5, $0x0  }
0x1f: {  	s9 =	smul.u32 $0xF7A, s1;
	s8 =	simm.s32 @!p0 $0x1BF5;
	p2 =	por !p2, p0  }
0x20: {  	[sflag:s8] =	ssyncset.s32 @!p0 $0xFFFFF086;
	s6 =	sadd.s32 @!p0 s3, s7;
	s7 =	simm.s32 @!p0 $0x108  }
0x21: {  	s3 =	sadd.s32 s3, s9;
	s6 =	sadd.s32 @!p0 $0x88, s6;
	s7 =	simm.s32 @p2 $0x1082  }
0x22: {  	[simem:s7], [sflag:s8] =	dma.local @!p0 [hbm:s6], $0xF7A  }
0x23: {  	s9 =	sor.u32 $0xD0000000, s2;
	s6 =	simm.s32 $0x108;
	_ =	swait.ge @!p0 [sflag:s8], $0x0  }
0x24: {  	s3 =	sadd.s32 $0x88, s3;
	s6 =	simm.s32 @!p1 $0x1082;
	[sflag:s4] =	ssyncset.s32 $0xFFFFF086  }
0x25: {  	[simem:s6], [sflag:s4] =	dma.local [hbm:s3], $0xF7A  }
0x26: {  	[smem:$0x3F7E] =	sst s1;
	(tag) =	ssettag s2;
	_ =	strace s9  }
0x27: {  	s1 =	sld [smem:$0x3F8E]  }
0x28: {  	s2 =	sld [smem:$0x3F8F]  }
0x29: {  	s4 =	sld [smem:$0x3F91]  }
0x2a: {  	p0 =	seq.s32 s5, $0x0;
	s5 =	sld [smem:$0x3F92]  }
0x2b: {  	s6 =	sld [smem:$0x3F93]  }
0x2c: {  	s7 =	sld [smem:$0x3F94]  }
0x2d: {  	s3 =	simm.s32 $0x108;
	s8 =	sld [smem:$0x3F95]  }
0x2e: {  	s3 =	simm.s32 @!p0 $0x1082;
	s9 =	sld [smem:$0x3F96]  }
0x2f: {  	lr =	sadd.s32 s0, s3;
	s0 =	sld [smem:$0x3F8D]  }
0x30: {  	s3 =	sld [smem:$0x3F90]  }
0x31: {  	[smem:$0x3F99] =	sst s10  }
0x32: {  	s10 =	sld [smem:$0x3F97];
	_ =	sdelay $0x3  }
0x33: {  	p0 =	seq.s32 s10, $0x1;
	s10 =	sld [smem:$0x3F99];
	_ =	sdelay $0x3  }
0x34: {  	[smem:$0x3F99] =	sst s10  }
0x35: {  	s10 =	sld [smem:$0x3F98];
	_ =	sdelay $0x3  }
0x36: {  	p1 =	seq.s32 s10, $0x1;
	s10 =	sld [smem:$0x3F99];
	_ =	sdelay $0x3  }
0x37: {  	[smem:$0x3F99] =	sst s10  }
0x38: {  	s10 =	sld [smem:$0x3F9A]  }
0x39: {  	_ = 	snop;
	(pc) =	sbr.ind lr, $3  }
0x3a: {  	_ = 	snop  }
0x3b: {  	_ = 	snop  }
0x3c: {  	p2 =	seq.s32 s10, $0x1;
	s10 =	sld [smem:$0x3F99]  }
0x3d: {  	_ =	shalt  }
0x3e: {  	_ =	shalt  }
0x3f: {  	_ =	shalt  }
0x40: {  	_ =	shalt  }
0x41: {  	_ =	shalt  }
0x42: {  	_ =	shalt  }
0x43: {  	_ =	shalt  }
0x44: {  	_ =	shalt  }
0x45: {  	_ =	shalt  }
0x46: {  	_ =	shalt  }
0x47: {  	_ =	shalt  }
0x48: {  	_ =	shalt  }
0x49: {  	_ =	shalt  }
0x4a: {  	_ =	shalt  }
0x4b: {  	_ =	shalt  }
0x4c: {  	_ =	shalt  }
0x4d: {  	_ =	shalt  }
0x4e: {  	_ =	shalt  }
0x4f: {  	_ =	shalt  }
0x50: {  	_ =	shalt  }
0x51: {  	_ =	shalt  }
0x52: {  	_ =	shalt  }
0x53: {  	_ =	shalt  }
0x54: {  	_ =	shalt  }
0x55: {  	_ =	shalt  }
0x56: {  	_ =	shalt  }
0x57: {  	_ =	shalt  }
0x58: {  	_ =	shalt  }
0x59: {  	_ =	shalt  }
0x5a: {  	_ =	shalt  }
0x5b: {  	_ =	shalt  }
0x5c: {  	_ =	shalt  }
0x5d: {  	_ =	shalt  }
0x5e: {  	_ =	shalt  }
0x5f: {  	_ =	shalt  }
0x60: {  	_ =	shalt  }
0x61: {  	_ =	shalt  }
0x62: {  	_ =	shalt  }
0x63: {  	_ =	shalt  }
0x64: {  	_ =	shalt  }
0x65: {  	_ =	shalt  }
0x66: {  	_ =	shalt  }
0x67: {  	_ =	shalt  }
0x68: {  	_ =	shalt  }
0x69: {  	_ =	shalt  }
0x6a: {  	_ =	shalt  }
0x6b: {  	_ =	shalt  }
0x6c: {  	_ =	shalt  }
0x6d: {  	_ =	shalt  }
0x6e: {  	_ =	shalt  }
0x6f: {  	_ =	shalt  }
0x70: {  	_ =	shalt  }
0x71: {  	_ =	shalt  }
0x72: {  	_ =	shalt  }
0x73: {  	_ =	shalt  }
0x74: {  	_ =	shalt  }
0x75: {  	_ =	shalt  }
0x76: {  	_ =	shalt  }
0x77: {  	_ =	shalt  }
0x78: {  	_ =	shalt  }
0x79: {  	_ =	shalt  }
0x7a: {  	_ =	shalt  }
0x7b: {  	_ =	shalt  }
0x7c: {  	_ =	shalt  }
0x7d: {  	_ =	shalt  }
0x7e: {  	_ =	shalt  }
0x7f: {  	_ =	shalt  }
0x80: {  	_ =	shalt  }
0x81: {  	_ =	shalt  }
0x82: {  	_ =	shalt  }
0x83: {  	_ =	shalt  }
0x84: {  	_ =	shalt  }
0x85: {  	_ =	shalt  }
0x86: {  	_ =	shalt  }
0x87: {  	_ =	shalt  }
.Lfunc_end0:
.L_simem_size_0:
called_computation.2_lowered:
.L_overlay_start_0:
0x88: {  	s2 =	sld [smem:$0x3FD9]  }
0x89: {  	s3 =	sld [smem:$0x3FFE];
	_ =	sdelay $0x1  }
0x8a: {  	s1 =	srdreg.scid  }
0x8b: {  	s0 =	sand.u32 $0x1, s1  }
0x8c: {  	s16 =	sshll.u32 s0, $0xA;
	s2 =	sadd.s32 s3, s2  }
0x8d: {  	s2 =	sadd.s32 s2, s16  }
0x8e: {  	[smem:$0x3FA5] =	sst s2  }
0x8f: {  	_ = 	snop  }
0x90: {  	(tm) =	ssettm $0x1  }
0x91: {  	s17 =	sld [smem:$0x3FFB];
	_ =	sdelay $0x3  }
0x92: {  	_ =	strace s17  }
0x93: {  	s2 =	sld [smem:$0x3FFC];
	_ =	sdelay $0x3  }
0x94: {  	_ =	strace s2  }
0x95: {  	s2 =	sld [smem:$0x3FFD];
	_ =	sdelay $0x3  }
0x96: {  	_ =	strace s2  }
0x97: {  	_ =	strace $0x8FFFFFFF  }
0x98: {  	s18 =	sld [smem:$0x3FDB];
	_ =	sdelay $0x1  }
0x99: {  	s19 =	simm.s32 $_scs_section_size  }
0x9a: {  	s4 =	simm.s32 $_size__tile_overlayer_lowered;
	s5 =	simm.s32 $_tile_overlayer_lowered  }
0x9b: {  	s22 =	simm.s32 $0x1BFF;
	s21 =	sshll.u32 s5, $0x1;
	s2 =	sadd.s32 s19, s18  }
0x9c: {  	s6 =	simm.s32 $0x0;
	s20 =	sshll.u32 s4, $0x1;
	s4 =	sadd.s32 s21, s2  }
0x9d: {  	[timem:s6], [sflag:s22] =	dma.local [hbm:s4], s20  }
0x9e: {  	_ =	swait.ge [sflag:s22], s20  }
0x9f: {  	s3 =	ssub.s32 $0x0, s20;
	[sflag:s22] =	ssyncset.done $0x0  }
0xa0: {  	[sflag:s22] =	ssyncadd.s32 s3;
	_ =	sdelay $0x1  }
0xa1: {  	s23 =	simm.s32 $0x1B8B  }
0xa2: {  	_ =	swait.ge [sflag:s23], $0x1  }
0xa3: {  	[sflag:s23] =	ssyncset.done $0x0  }
0xa4: {  	s25 =	simm.s32 $0x1B8E;
	s24 =	sld [smem:$0x3FFE];
	[sflag:s23] =	ssyncadd.s32 $0xFFFFFFFF  }
0xa5: {  	s26 =	simm.s32 $execute0_lowered;
	[smem:$0x3FD2] =	sst s25  }
0xa6: {  	s4 =	sshll.u32 s26, $0x1;
	_ =	strace $0x8000004C;
	[dreg:$0x1] =	wrdreg $0xFFFFFFFF  }
0xa7: {  	s28 =	simm.s32 $_size_execute0_lowered;
	s2 =	sadd.s32 s2, s4;
	[dreg:$0x0] =	wrdreg $0x0  }
0xa8: {  	s4 =	sshll.u32 s28, $0x1;
	[dreg:$0x2] =	wrdreg s2  }
0xa9: {  	[dreg:$0x3] =	wrdreg s4  }
0xaa: {  	[dreg:$0x4] =	wrdreg $0xC0  }
0xab: {  	_ =	task [dreg:s6], $0x5FFFF  }
0xac: {  	[dreg:$0x1] =	wrdreg $0xFFFFFFFF  }
0xad: {  	[dreg:$0x0] =	wrdreg $0x60  }
0xae: {  	[dreg:$0x2] =	wrdreg s24  }
0xaf: {  	[dreg:$0x3] =	wrdreg $0xB0000  }
0xb0: {  	[dreg:$0x4] =	wrdreg $0x9  }
0xb1: {  	_ =	task.clear_ibuf [dreg:s6], $0x5FFFF;
	_ =	strace $0x9000004C  }
0xb2: {  	s29 =	simm.s32 $0x9;
	_ =	strace $0x8000004E  }
0xb3: {  	_ =	swait.ge [sflag:s29], $0x1  }
0xb4: {  	[sflag:s29] =	ssyncadd.s32 $0xFFFFFFFF  }
0xb5: {  	_ =	strace $0x9000004E  }
0xb6: {  	_ =	sfence  }
0xb7: {  	s30 =	sld [smem:$0x0];
	_ =	sdelay $0x2  }
0xb8: {  	s31 =	sshll.u32 s1, $0xD;
	s1 =	sshrl.u32 s1, $0x2  }
0xb9: {  	s3 =	sand.u32 $0x4000, s31;
	s1 =	sadd.s32 s1, s30  }
0xba: {  	s0 =	sor.u32 s3, s0;
	s1 =	sshll.u32 s1, $0x11  }
0xbb: {  	s0 =	sor.u32 s1, s0  }
0xbc: {  	s0 =	sadd.s32 $0x8F2B, s0  }
0xbd: {  	[sflag:s0] =	ssyncadd.remote.s32 $0x1  }
0xbe: {  	_ =	sfence.sel $0xFFFF  }
0xbf: {  	[dreg:$0x0] =	wrdreg $0xFFFFFFFF;
	(pc) =	sbr.abs _section_cstart, $3  }
0xc0: {  	[dreg:$0x1] =	wrdreg $0xFFFFFFFF  }
0xc1: {  	_ =	task.clear_ibuf [dreg:s6], $0x2FFFF;
	_ =	strace $0x9FFFFFFF  }
0xc2: {  	(tm) =	ssettm $0x7FFFFFFF  }
0xc3: {  	_ =	shalt  }
tec
execute0_lowered:
.L_overlay_start_1:
0x0: {  	(tag) =	ssettag $0x1  }
0x1: {  	s0 =	srdreg.scid;
	s7 =	rddreg [dreg:$0x0]  }
0x2: {  	s2 =	rddreg [dreg:$0x1];
	s1 =	stileid.u32  }
0x3: {  	s3 =	simm.s32 $0x0;
	s17 =	simm.s32 $0x80;
	s18 =	simm.s32 $0x7000  }
0x4: {  	s19 =	simm.s32 $0x1;
	s10 =	sand.u32 $0x1, s0;
	s0 =	rddreg [dreg:$0x2]  }
0x5: {  	s20 =	simm.s32 $0x0;
	[smem:$0x7FF] =	sst s3;
	s6 =	smul.u32 $0x4E000, s1  }
0x6: {  	s11 =	smul.u32 $0x13800, s1;
	s12 =	sadd.s32 $0x49C00, s7;
	s31 =	sshll.u32 s1, $0x6  }
0x7: {  	s16 =	sadd.s32 $0x138000, s2;
	s4 =	sshll.u32 s10, $0x4;
	_ =	strace $0x8000004D  }
0x8: {  	s8 =	ssub.s32 $0x2, s10;
	s15 =	smul.u32 $0x138800, s10;
	p0 =	seq.s32 s10, $0x0  }
0x9: {  	s10 =	simm.s32 $0x6F;
	s4 =	sor.u32 s1, s4;
	s28 =	sshrl.u32 s8, $0x1  }
0xa: {  	s29 =	sshrl.u32 s6, $0x2;
	s30 =	sshrl.u32 s11, $0x3;
	s6 =	sor.u32 $0x1C02, s31  }
0xb: {  	s10 =	simm.s32 @!p0 $0x2F;
	p0 =	sne.s32 s1, $0xF;
	s5 =	smul.u32 $0x700, s4  }
0xc: {  	s4 =	sadd.s32 $0x22A00, s7;
	s13 =	ssub.s32 s8, s28;
	s14 =	sadd.s32 s29, s2  }
0xd: {  	s11 =	sadd.s32 s11, s15;
	s15 =	sshrl.u32 s15, $0x3;
	s16 =	sshrl.u32 @!p0 s16, $0x3  }
0xe: {  	s11 =	sshrl.u32 s11, $0x3;
	s15 =	sadd.s32 s12, s15;
	s13 =	smax.u32 s13, $0x1  }
0xf: {  	s14 =	sshrl.u32 s14, $0x3;
	s9 =	sadd.s32 s5, s7;
	s5 =	sadd.s32 s4, s30  }
0x10: {  	s7 =	sadd.s32 $0x49A00, s7;
	s11 =	sadd.s32 s12, s11;
	s12 =	sadd.s32 $0x27000, s15  }
0x11: {  	s15 =	simm.s32 $0x2;
	s8 =	sadd.s32 $0x6A00, s9;
	s9 =	sadd.s32 $0x14A00, s9  }
.LBB2_1:
0x12: {  	[spmem:s14], [sflag:s6] =	dma.local [hbm:s5], $0x2700  }
0x13: {  	_ =	swait.ge [sflag:s15], $0x2700  }
0x14: {  	[sflag:s15] =	ssyncset.done $0x0  }
0x15: {  	s21 =	simm.s32 @!p0 $0x2;
	[sflag:s15] =	ssyncadd.s32 $0xFFFFD900  }
0x16: {  	[spmem:s16], [sflag:s6] =	dma.local @!p0 [hbm:s7], $0x100  }
0x17: {  	_ =	swait.ge @!p0 [sflag:s21], $0x100  }
0x18: {  	[sflag:s21] =	ssyncset.done @!p0 $0x0  }
0x19: {  	[sflag:s21] =	ssyncadd.s32 @!p0 $0xFFFFFF00  }
0x1a: {  	[bflag:$0x0] =	sbarrier.arrive $0xFFFF  }
0x1b: {  	[tilespmem:s3], [sflag:$0x2] =	stream.linear.gather [hbm4b:s8+s3], $0x3780, $0x38;
	[tilespmem:$0x1E900] =	vst v63  }
0x1c: {  	_ =	swait.ge [sflag:s15], $0x3780  }
0x1d: {  	[sflag:s15] =	ssyncset.done $0x0  }
0x1e: {  	s22 =	simm.s32 $0x3800;
	[sflag:s15] =	ssyncadd.s32 $0xFFFFC880  }
0x1f: {  	[tilespmem:s22], [sflag:$0x2] =	stream.linear.gather [hbm4b:s9+s3], $0x3780, $0x38;
	[tilespmem:$0x1E900] =	vst v63  }
0x20: {  	_ =	swait.ge [sflag:s15], $0x3780  }
0x21: {  	[sflag:s15] =	ssyncset.done $0x0  }
0x22: {  	[sflag:s15] =	ssyncadd.s32 $0xFFFFC880  }
0x23: {  	[tilespmem:s18], [sflag:$0x1] =	stream.indirect.gather [hbm4b:s4+s17], $0x80, s3, s17, $0xb8;
	[tilespmem:$0x1E900] =	vst v63  }
0x24: {  	p1 =	sne.s32 s10, $0x1;
	_ =	swait.ge [sflag:s19], $0x4000  }
.Ltmp0:
0x25: {  	[sflag:s19] =	ssyncset.done $0x0;
	(pc) =	sbr.rel @!p1 .LBB2_3-.Ltmp0, $4  }
0x26: {  	[sflag:s19] =	ssyncadd.s32 $0xFFFFC000  }
0x27: {  	[spmem:s2] =	stream.indirect.scatter.add.f32 [tilespmem:s18], [sflag:$0x2], $0x80, s22, s17, $0xb8;
	[tilespmem:$0x1E900] =	vst v63  }
0x28: {  	_ =	swait.ge [sflag:s15], $0x4000  }
0x29: {  	s23 =	sadd.s32 $0xFFFFFFFF, s10;
	s24 =	simm.s32 $0x0;
	[sflag:s15] =	ssyncset.done $0x0  }
.LBB2_2:
0x2a: {  	[sflag:s15] =	ssyncadd.s32 $0xFFFFC000;
	s24 =	sadd.s32 $0x80, s24;
	s22 =	sadd.s32 $0x80, s22  }
0x2b: {  	[tilespmem:s18], [sflag:$0x1] =	stream.indirect.gather [hbm4b:s4+s17], $0x80, s24, s17, $0xb8;
	[tilespmem:$0x1E900] =	vst v63  }
0x2c: {  	p1 =	sne.s32 s23, $0x1;
	s23 =	sadd.s32 $0xFFFFFFFF, s23;
	_ =	swait.ge [sflag:s19], $0x4000  }
.Ltmp1:
0x2d: {  	[sflag:s19] =	ssyncset.done $0x0;
	(pc) =	sbr.rel @p1 .LBB2_2-.Ltmp1, $4  }
0x2e: {  	[sflag:s19] =	ssyncadd.s32 $0xFFFFC000  }
0x2f: {  	[spmem:s2] =	stream.indirect.scatter.add.f32 [tilespmem:s18], [sflag:$0x2], $0x80, s22, s17, $0xb8;
	[tilespmem:$0x1E900] =	vst v63  }
0x30: {  	_ =	swait.ge [sflag:s15], $0x4000  }
0x31: {  	[sflag:s15] =	ssyncset.done $0x0  }
.LBB2_3:
0x32: {  	[sflag:s15] =	ssyncadd.s32 $0xFFFFC000  }
0x33: {  	[bflag:$0x0] =	sbarrier.arrive $0xFFFF  }
0x34: {  	[hbm:s11], [sflag:s6] =	dma.local [spmem:s14], $0x2700  }
0x35: {  	s20 =	sadd.s32 $0x1, s20;
	_ =	swait.ge [sflag:s15], $0x2700  }
0x36: {  	p1 =	sne.s32 s20, s13;
	[sflag:s15] =	ssyncset.done $0x0  }
.Ltmp2:
0x37: {  	[sflag:s15] =	ssyncadd.s32 $0xFFFFD900;
	(pc) =	sbr.rel @p1 .LBB2_1-.Ltmp2, $4  }
0x38: {  	[hbm:s12], [sflag:s6] =	dma.local @!p0 [spmem:s16], $0x100  }
0x39: {  	_ =	swait.ge @!p0 [sflag:s21], $0x100  }
0x3a: {  	[sflag:s21] =	ssyncset.done @!p0 $0x0  }
0x3b: {  	[sflag:s21] =	ssyncadd.s32 @!p0 $0xFFFFFF00  }
0x3c: {  	_ =	sfence.sel $0x180000  }
0x3d: {  	[bflag:$0x0] =	sbarrier.arrive $0xFFFF  }
0x3e: {  	p0 =	sne.s32 s1, $0x0;
	_ =	strace $0x9000004D  }
0x3f: {  	s0 =	sadd.s32 @!p0 $0x100000, s0;
	[bflag:$0x2] =	sbarrier.arrive $0xFFFF  }
0x40: {  	[sflag:s0] =	ssyncadd.tile.s32 @!p0 $0x1;
	_ =	shalt  }
.Lfunc_end2:
_tile_overlayer_lowered:
.L_overlay_start_2:
0x41: {  	(tag) =	ssettag $0x2  }
0x42: {  	s0 =	rddreg [dreg:$0x0];
	s2 =	stileid.u32  }
0x43: {  	s1 =	rddreg [dreg:$0x1];
	p0 =	sne.s32 s2, $0x0  }
0x44: {  	s3 =	rddreg [dreg:$0x2];
	[bflag:$0x3] =	sbarrier.arrive $0xFFFF;
	s2 =	simm.s32 @!p0 $0x1C02  }
0x45: {  	[timem:s3], [sflag:s2] =	dma.local @!p0 [hbm:s0], s1  }
0x46: {  	s0 =	simm.s32 @!p0 $0x2  }
0x47: {  	_ =	swait.ge @!p0 [sflag:s0], s1  }
0x48: {  	s1 =	ssub.s32 @!p0 $0x0, s1;
	[sflag:s0] =	ssyncset.done @!p0 $0x0  }
0x49: {  	[sflag:s0] =	ssyncadd.s32 @!p0 s1  }
0x4a: {  	[bflag:$0x3] =	sbarrier.arrive $0xFFFF  }
0x4b: {  	_ =	shalt  }

// kernel: kernel.20.cloned.1.call-start
scs
__scs_entry_jumppad:
0x0: {  	(pc) =	sbr.rel $0x88, $3  }
0x1: {  	(tag) =	ssettag $0x0;
	lr =	simm.s32 $0x1  }
0x2: {  	[smem:$0x3F7E] =	sst lr;
	_ =	strace $0xD0000000  }
0x3: {  	_ = 	snop  }
0x4: {  	_ = 	snop  }
0x5: {  	_ = 	snop  }
0x6: {  	_ = 	snop  }
0x7: {  	_ = 	snop  }
__scs_overlays_trampoline_lowered:
0x8: {  	[smem:$0x3F8D] =	sst s0  }
0x9: {  	[smem:$0x3F8E] =	sst s1  }
0xa: {  	[smem:$0x3F8F] =	sst s2  }
0xb: {  	[smem:$0x3F90] =	sst s3  }
0xc: {  	[smem:$0x3F91] =	sst s4  }
0xd: {  	[smem:$0x3F92] =	sst s5  }
0xe: {  	[smem:$0x3F93] =	sst s6  }
0xf: {  	[smem:$0x3F94] =	sst s7  }
0x10: {  	[smem:$0x3F95] =	sst s8  }
0x11: {  	[smem:$0x3F96] =	sst s9;
	s0 =	simm.s32 @!p0 $0x0  }
0x12: {  	s1 =	sld [smem:$0x3F7C];
	s0 =	simm.s32 @p0 $0x1  }
0x13: {  	[smem:$0x3F97] =	sst s0;
	s0 =	simm.s32 @!p1 $0x0  }
0x14: {  	s2 =	sld [smem:$0x3F7B];
	s0 =	simm.s32 @p1 $0x1  }
0x15: {  	[smem:$0x3F98] =	sst s0;
	s0 =	simm.s32 @!p2 $0x0  }
0x16: {  	s3 =	sld [smem:$0x3FDB];
	s0 =	simm.s32 @p2 $0x1  }
0x17: {  	s4 =	simm.s32 $0x1BF5;
	[smem:$0x3F9A] =	sst s0  }
0x18: {  	s0 =	sld [smem:$0x3F7D];
	_ =	swait.ge [sflag:s4], $0x0  }
0x19: {  	s7 =	sld [smem:$0x3F7E]  }
0x1a: {  	s8 =	sadd.s32 $0xFFFFE003, lr  }
0x1b: {  	s9 =	sadd.s32 $0xFFFFFEF7, lr;
	s5 =	simm.s32 $0xFFFFFFFF;
	p2 =	slt.u32 s8, $0xFFFFF086  }
0x1c: {  	p1 =	slt.u32 s9, $0xF7A;
	s5 =	simm.s32 @!p2 $0x0  }
0x1d: {  	s5 =	simm.s32 @p1 $0x1;
	p0 =	seq.s32 s7, s2  }
0x1e: {  	s7 =	smul.u32 @!p0 $0xF7A, s2;
	p2 =	seq.s32 @!p0 s5, $0x0  }
0x1f: {  	s9 =	smul.u32 $0xF7A, s1;
	s8 =	simm.s32 @!p0 $0x1BF5;
	p2 =	por !p2, p0  }
0x20: {  	[sflag:s8] =	ssyncset.s32 @!p0 $0xFFFFF086;
	s6 =	sadd.s32 @!p0 s3, s7;
	s7 =	simm.s32 @!p0 $0x108  }
0x21: {  	s3 =	sadd.s32 s3, s9;
	s6 =	sadd.s32 @!p0 $0x88, s6;
	s7 =	simm.s32 @p2 $0x1082  }
0x22: {  	[simem:s7], [sflag:s8] =	dma.local @!p0 [hbm:s6], $0xF7A  }
0x23: {  	s9 =	sor.u32 $0xD0000000, s2;
	s6 =	simm.s32 $0x108;
	_ =	swait.ge @!p0 [sflag:s8], $0x0  }
0x24: {  	s3 =	sadd.s32 $0x88, s3;
	s6 =	simm.s32 @!p1 $0x1082;
	[sflag:s4] =	ssyncset.s32 $0xFFFFF086  }
0x25: {  	[simem:s6], [sflag:s4] =	dma.local [hbm:s3], $0xF7A  }
0x26: {  	[smem:$0x3F7E] =	sst s1;
	(tag) =	ssettag s2;
	_ =	strace s9  }
0x27: {  	s1 =	sld [smem:$0x3F8E]  }
0x28: {  	s2 =	sld [smem:$0x3F8F]  }
0x29: {  	s4 =	sld [smem:$0x3F91]  }
0x2a: {  	p0 =	seq.s32 s5, $0x0;
	s5 =	sld [smem:$0x3F92]  }
0x2b: {  	s6 =	sld [smem:$0x3F93]  }
0x2c: {  	s7 =	sld [smem:$0x3F94]  }
0x2d: {  	s3 =	simm.s32 $0x108;
	s8 =	sld [smem:$0x3F95]  }
0x2e: {  	s3 =	simm.s32 @!p0 $0x1082;
	s9 =	sld [smem:$0x3F96]  }
0x2f: {  	lr =	sadd.s32 s0, s3;
	s0 =	sld [smem:$0x3F8D]  }
0x30: {  	s3 =	sld [smem:$0x3F90]  }
0x31: {  	[smem:$0x3F99] =	sst s10  }
0x32: {  	s10 =	sld [smem:$0x3F97];
	_ =	sdelay $0x3  }
0x33: {  	p0 =	seq.s32 s10, $0x1;
	s10 =	sld [smem:$0x3F99];
	_ =	sdelay $0x3  }
0x34: {  	[smem:$0x3F99] =	sst s10  }
0x35: {  	s10 =	sld [smem:$0x3F98];
	_ =	sdelay $0x3  }
0x36: {  	p1 =	seq.s32 s10, $0x1;
	s10 =	sld [smem:$0x3F99];
	_ =	sdelay $0x3  }
0x37: {  	[smem:$0x3F99] =	sst s10  }
0x38: {  	s10 =	sld [smem:$0x3F9A]  }
0x39: {  	_ = 	snop;
	(pc) =	sbr.ind lr, $3  }
0x3a: {  	_ = 	snop  }
0x3b: {  	_ = 	snop  }
0x3c: {  	p2 =	seq.s32 s10, $0x1;
	s10 =	sld [smem:$0x3F99]  }
0x3d: {  	_ =	shalt  }
0x3e: {  	_ =	shalt  }
0x3f: {  	_ =	shalt  }
0x40: {  	_ =	shalt  }
0x41: {  	_ =	shalt  }
0x42: {  	_ =	shalt  }
0x43: {  	_ =	shalt  }
0x44: {  	_ =	shalt  }
0x45: {  	_ =	shalt  }
0x46: {  	_ =	shalt  }
0x47: {  	_ =	shalt  }
0x48: {  	_ =	shalt  }
0x49: {  	_ =	shalt  }
0x4a: {  	_ =	shalt  }
0x4b: {  	_ =	shalt  }
0x4c: {  	_ =	shalt  }
0x4d: {  	_ =	shalt  }
0x4e: {  	_ =	shalt  }
0x4f: {  	_ =	shalt  }
0x50: {  	_ =	shalt  }
0x51: {  	_ =	shalt  }
0x52: {  	_ =	shalt  }
0x53: {  	_ =	shalt  }
0x54: {  	_ =	shalt  }
0x55: {  	_ =	shalt  }
0x56: {  	_ =	shalt  }
0x57: {  	_ =	shalt  }
0x58: {  	_ =	shalt  }
0x59: {  	_ =	shalt  }
0x5a: {  	_ =	shalt  }
0x5b: {  	_ =	shalt  }
0x5c: {  	_ =	shalt  }
0x5d: {  	_ =	shalt  }
0x5e: {  	_ =	shalt  }
0x5f: {  	_ =	shalt  }
0x60: {  	_ =	shalt  }
0x61: {  	_ =	shalt  }
0x62: {  	_ =	shalt  }
0x63: {  	_ =	shalt  }
0x64: {  	_ =	shalt  }
0x65: {  	_ =	shalt  }
0x66: {  	_ =	shalt  }
0x67: {  	_ =	shalt  }
0x68: {  	_ =	shalt  }
0x69: {  	_ =	shalt  }
0x6a: {  	_ =	shalt  }
0x6b: {  	_ =	shalt  }
0x6c: {  	_ =	shalt  }
0x6d: {  	_ =	shalt  }
0x6e: {  	_ =	shalt  }
0x6f: {  	_ =	shalt  }
0x70: {  	_ =	shalt  }
0x71: {  	_ =	shalt  }
0x72: {  	_ =	shalt  }
0x73: {  	_ =	shalt  }
0x74: {  	_ =	shalt  }
0x75: {  	_ =	shalt  }
0x76: {  	_ =	shalt  }
0x77: {  	_ =	shalt  }
0x78: {  	_ =	shalt  }
0x79: {  	_ =	shalt  }
0x7a: {  	_ =	shalt  }
0x7b: {  	_ =	shalt  }
0x7c: {  	_ =	shalt  }
0x7d: {  	_ =	shalt  }
0x7e: {  	_ =	shalt  }
0x7f: {  	_ =	shalt  }
0x80: {  	_ =	shalt  }
0x81: {  	_ =	shalt  }
0x82: {  	_ =	shalt  }
0x83: {  	_ =	shalt  }
0x84: {  	_ =	shalt  }
0x85: {  	_ =	shalt  }
0x86: {  	_ =	shalt  }
0x87: {  	_ =	shalt  }
.Lfunc_end0:
.L_simem_size_0:
called_computation.3_lowered:
.L_overlay_start_0:
0x88: {  	s2 =	sld [smem:$0x3FD9]  }
0x89: {  	s3 =	sld [smem:$0x3FFE];
	_ =	sdelay $0x1  }
0x8a: {  	s1 =	srdreg.scid  }
0x8b: {  	s0 =	sand.u32 $0x1, s1  }
0x8c: {  	s16 =	sshll.u32 s0, $0xA;
	s2 =	sadd.s32 s3, s2  }
0x8d: {  	s2 =	sadd.s32 s2, s16  }
0x8e: {  	[smem:$0x3FA5] =	sst s2  }
0x8f: {  	_ = 	snop  }
0x90: {  	(tm) =	ssettm $0x1  }
0x91: {  	s17 =	sld [smem:$0x3FFB];
	_ =	sdelay $0x3  }
0x92: {  	_ =	strace s17  }
0x93: {  	s2 =	sld [smem:$0x3FFC];
	_ =	sdelay $0x3  }
0x94: {  	_ =	strace s2  }
0x95: {  	s2 =	sld [smem:$0x3FFD];
	_ =	sdelay $0x3  }
0x96: {  	_ =	strace s2  }
0x97: {  	_ =	strace $0x8FFFFFFF  }
0x98: {  	s18 =	sld [smem:$0x3FDB];
	_ =	sdelay $0x1  }
0x99: {  	s19 =	simm.s32 $_scs_section_size  }
0x9a: {  	s4 =	simm.s32 $_size__tile_overlayer_lowered;
	s5 =	simm.s32 $_tile_overlayer_lowered  }
0x9b: {  	s22 =	simm.s32 $0x1BFF;
	s21 =	sshll.u32 s5, $0x1;
	s2 =	sadd.s32 s19, s18  }
0x9c: {  	s6 =	simm.s32 $0x0;
	s20 =	sshll.u32 s4, $0x1;
	s4 =	sadd.s32 s21, s2  }
0x9d: {  	[timem:s6], [sflag:s22] =	dma.local [hbm:s4], s20  }
0x9e: {  	_ =	swait.ge [sflag:s22], s20  }
0x9f: {  	s3 =	ssub.s32 $0x0, s20;
	[sflag:s22] =	ssyncset.done $0x0  }
0xa0: {  	[sflag:s22] =	ssyncadd.s32 s3;
	_ =	sdelay $0x1  }
0xa1: {  	s23 =	simm.s32 $0x1B8B  }
0xa2: {  	_ =	swait.ge [sflag:s23], $0x1  }
0xa3: {  	[sflag:s23] =	ssyncset.done $0x0  }
0xa4: {  	s25 =	simm.s32 $0x1B8E;
	s24 =	sld [smem:$0x3FFE];
	[sflag:s23] =	ssyncadd.s32 $0xFFFFFFFF  }
0xa5: {  	s26 =	simm.s32 $execute0_lowered;
	[smem:$0x3FD2] =	sst s25  }
0xa6: {  	s4 =	sshll.u32 s26, $0x1;
	_ =	strace $0x8000004F;
	[dreg:$0x1] =	wrdreg $0xFFFFFFFF  }
0xa7: {  	s28 =	simm.s32 $_size_execute0_lowered;
	s2 =	sadd.s32 s2, s4;
	[dreg:$0x0] =	wrdreg $0x0  }
0xa8: {  	s4 =	sshll.u32 s28, $0x1;
	[dreg:$0x2] =	wrdreg s2  }
0xa9: {  	[dreg:$0x3] =	wrdreg s4  }
0xaa: {  	[dreg:$0x4] =	wrdreg $0xC0  }
0xab: {  	_ =	task [dreg:s6], $0x5FFFF  }
0xac: {  	[dreg:$0x1] =	wrdreg $0xFFFFFFFF  }
0xad: {  	[dreg:$0x0] =	wrdreg $0x60  }
0xae: {  	[dreg:$0x2] =	wrdreg s24  }
0xaf: {  	[dreg:$0x3] =	wrdreg $0xB0000  }
0xb0: {  	[dreg:$0x4] =	wrdreg $0x9  }
0xb1: {  	_ =	task.clear_ibuf [dreg:s6], $0x5FFFF;
	_ =	strace $0x9000004F  }
0xb2: {  	s29 =	simm.s32 $0x9;
	_ =	strace $0x80000051  }
0xb3: {  	_ =	swait.ge [sflag:s29], $0x1  }
0xb4: {  	[sflag:s29] =	ssyncadd.s32 $0xFFFFFFFF  }
0xb5: {  	_ =	strace $0x90000051  }
0xb6: {  	_ =	sfence  }
0xb7: {  	s30 =	sld [smem:$0x0];
	_ =	sdelay $0x2  }
0xb8: {  	s31 =	sshll.u32 s1, $0xD;
	s1 =	sshrl.u32 s1, $0x2  }
0xb9: {  	s3 =	sand.u32 $0x4000, s31;
	s1 =	sadd.s32 s1, s30  }
0xba: {  	s0 =	sor.u32 s3, s0;
	s1 =	sshll.u32 s1, $0x11  }
0xbb: {  	s0 =	sor.u32 s1, s0  }
0xbc: {  	s0 =	sadd.s32 $0x8F2B, s0  }
0xbd: {  	[sflag:s0] =	ssyncadd.remote.s32 $0x1  }
0xbe: {  	_ =	sfence.sel $0xFFFF  }
0xbf: {  	[dreg:$0x0] =	wrdreg $0xFFFFFFFF;
	(pc) =	sbr.abs _section_cstart, $3  }
0xc0: {  	[dreg:$0x1] =	wrdreg $0xFFFFFFFF  }
0xc1: {  	_ =	task.clear_ibuf [dreg:s6], $0x2FFFF;
	_ =	strace $0x9FFFFFFF  }
0xc2: {  	(tm) =	ssettm $0x7FFFFFFF  }
0xc3: {  	_ =	shalt  }
tec
execute0_lowered:
.L_overlay_start_1:
0x0: {  	(tag) =	ssettag $0x1  }
0x1: {  	s0 =	srdreg.scid;
	s7 =	rddreg [dreg:$0x0]  }
0x2: {  	s2 =	rddreg [dreg:$0x1];
	s1 =	stileid.u32  }
0x3: {  	s3 =	simm.s32 $0x0;
	s17 =	simm.s32 $0x80;
	s18 =	simm.s32 $0x7000  }
0x4: {  	s19 =	simm.s32 $0x1;
	s10 =	sand.u32 $0x1, s0;
	s0 =	rddreg [dreg:$0x2]  }
0x5: {  	s20 =	simm.s32 $0x0;
	[smem:$0x7FF] =	sst s3;
	s6 =	smul.u32 $0x4E000, s1  }
0x6: {  	s11 =	smul.u32 $0x13800, s1;
	s12 =	sadd.s32 $0x49C00, s7;
	s31 =	sshll.u32 s1, $0x6  }
0x7: {  	s16 =	sadd.s32 $0x138000, s2;
	s4 =	sshll.u32 s10, $0x4;
	_ =	strace $0x80000050  }
0x8: {  	s8 =	ssub.s32 $0x2, s10;
	s15 =	smul.u32 $0x138800, s10;
	p0 =	seq.s32 s10, $0x0  }
0x9: {  	s10 =	simm.s32 $0x6F;
	s4 =	sor.u32 s1, s4;
	s28 =	sshrl.u32 s8, $0x1  }
0xa: {  	s29 =	sshrl.u32 s6, $0x2;
	s30 =	sshrl.u32 s11, $0x3;
	s6 =	sor.u32 $0x1C02, s31  }
0xb: {  	s10 =	simm.s32 @!p0 $0x2F;
	p0 =	sne.s32 s1, $0xF;
	s5 =	smul.u32 $0x700, s4  }
0xc: {  	s4 =	sadd.s32 $0x22A00, s7;
	s13 =	ssub.s32 s8, s28;
	s14 =	sadd.s32 s29, s2  }
0xd: {  	s11 =	sadd.s32 s11, s15;
	s15 =	sshrl.u32 s15, $0x3;
	s16 =	sshrl.u32 @!p0 s16, $0x3  }
0xe: {  	s11 =	sshrl.u32 s11, $0x3;
	s15 =	sadd.s32 s12, s15;
	s13 =	smax.u32 s13, $0x1  }
0xf: {  	s14 =	sshrl.u32 s14, $0x3;
	s9 =	sadd.s32 s5, s7;
	s5 =	sadd.s32 s4, s30  }
0x10: {  	s7 =	sadd.s32 $0x49A00, s7;
	s11 =	sadd.s32 s12, s11;
	s12 =	sadd.s32 $0x27000, s15  }
0x11: {  	s15 =	simm.s32 $0x2;
	s8 =	sadd.s32 $0x6A00, s9;
	s9 =	sadd.s32 $0x14A00, s9  }
.LBB2_1:
0x12: {  	[spmem:s14], [sflag:s6] =	dma.local [hbm:s5], $0x2700  }
0x13: {  	_ =	swait.ge [sflag:s15], $0x2700  }
0x14: {  	[sflag:s15] =	ssyncset.done $0x0  }
0x15: {  	s21 =	simm.s32 @!p0 $0x2;
	[sflag:s15] =	ssyncadd.s32 $0xFFFFD900  }
0x16: {  	[spmem:s16], [sflag:s6] =	dma.local @!p0 [hbm:s7], $0x100  }
0x17: {  	_ =	swait.ge @!p0 [sflag:s21], $0x100  }
0x18: {  	[sflag:s21] =	ssyncset.done @!p0 $0x0  }
0x19: {  	[sflag:s21] =	ssyncadd.s32 @!p0 $0xFFFFFF00  }
0x1a: {  	[bflag:$0x0] =	sbarrier.arrive $0xFFFF  }
0x1b: {  	[tilespmem:s3], [sflag:$0x2] =	stream.linear.gather [hbm4b:s8+s3], $0x3780, $0x38;
	[tilespmem:$0x1E900] =	vst v63  }
0x1c: {  	_ =	swait.ge [sflag:s15], $0x3780  }
0x1d: {  	[sflag:s15] =	ssyncset.done $0x0  }
0x1e: {  	s22 =	simm.s32 $0x3800;
	[sflag:s15] =	ssyncadd.s32 $0xFFFFC880  }
0x1f: {  	[tilespmem:s22], [sflag:$0x2] =	stream.linear.gather [hbm4b:s9+s3], $0x3780, $0x38;
	[tilespmem:$0x1E900] =	vst v63  }
0x20: {  	_ =	swait.ge [sflag:s15], $0x3780  }
0x21: {  	[sflag:s15] =	ssyncset.done $0x0  }
0x22: {  	[sflag:s15] =	ssyncadd.s32 $0xFFFFC880  }
0x23: {  	[tilespmem:s18], [sflag:$0x1] =	stream.indirect.gather [hbm4b:s4+s17], $0x80, s3, s17, $0xb8;
	[tilespmem:$0x1E900] =	vst v63  }
0x24: {  	p1 =	sne.s32 s10, $0x1;
	_ =	swait.ge [sflag:s19], $0x4000  }
.Ltmp0:
0x25: {  	[sflag:s19] =	ssyncset.done $0x0;
	(pc) =	sbr.rel @!p1 .LBB2_3-.Ltmp0, $4  }
0x26: {  	[sflag:s19] =	ssyncadd.s32 $0xFFFFC000  }
0x27: {  	[spmem:s2] =	stream.indirect.scatter.add.f32 [tilespmem:s18], [sflag:$0x2], $0x80, s22, s17, $0xb8;
	[tilespmem:$0x1E900] =	vst v63  }
0x28: {  	_ =	swait.ge [sflag:s15], $0x4000  }
0x29: {  	s23 =	sadd.s32 $0xFFFFFFFF, s10;
	s24 =	simm.s32 $0x0;
	[sflag:s15] =	ssyncset.done $0x0  }
.LBB2_2:
0x2a: {  	[sflag:s15] =	ssyncadd.s32 $0xFFFFC000;
	s24 =	sadd.s32 $0x80, s24;
	s22 =	sadd.s32 $0x80, s22  }
0x2b: {  	[tilespmem:s18], [sflag:$0x1] =	stream.indirect.gather [hbm4b:s4+s17], $0x80, s24, s17, $0xb8;
	[tilespmem:$0x1E900] =	vst v63  }
0x2c: {  	p1 =	sne.s32 s23, $0x1;
	s23 =	sadd.s32 $0xFFFFFFFF, s23;
	_ =	swait.ge [sflag:s19], $0x4000  }
.Ltmp1:
0x2d: {  	[sflag:s19] =	ssyncset.done $0x0;
	(pc) =	sbr.rel @p1 .LBB2_2-.Ltmp1, $4  }
0x2e: {  	[sflag:s19] =	ssyncadd.s32 $0xFFFFC000  }
0x2f: {  	[spmem:s2] =	stream.indirect.scatter.add.f32 [tilespmem:s18], [sflag:$0x2], $0x80, s22, s17, $0xb8;
	[tilespmem:$0x1E900] =	vst v63  }
0x30: {  	_ =	swait.ge [sflag:s15], $0x4000  }
0x31: {  	[sflag:s15] =	ssyncset.done $0x0  }
.LBB2_3:
0x32: {  	[sflag:s15] =	ssyncadd.s32 $0xFFFFC000  }
0x33: {  	[bflag:$0x0] =	sbarrier.arrive $0xFFFF  }
0x34: {  	[hbm:s11], [sflag:s6] =	dma.local [spmem:s14], $0x2700  }
0x35: {  	s20 =	sadd.s32 $0x1, s20;
	_ =	swait.ge [sflag:s15], $0x2700  }
0x36: {  	p1 =	sne.s32 s20, s13;
	[sflag:s15] =	ssyncset.done $0x0  }
.Ltmp2:
0x37: {  	[sflag:s15] =	ssyncadd.s32 $0xFFFFD900;
	(pc) =	sbr.rel @p1 .LBB2_1-.Ltmp2, $4  }
0x38: {  	[hbm:s12], [sflag:s6] =	dma.local @!p0 [spmem:s16], $0x100  }
0x39: {  	_ =	swait.ge @!p0 [sflag:s21], $0x100  }
0x3a: {  	[sflag:s21] =	ssyncset.done @!p0 $0x0  }
0x3b: {  	[sflag:s21] =	ssyncadd.s32 @!p0 $0xFFFFFF00  }
0x3c: {  	_ =	sfence.sel $0x180000  }
0x3d: {  	[bflag:$0x0] =	sbarrier.arrive $0xFFFF  }
0x3e: {  	p0 =	sne.s32 s1, $0x0;
	_ =	strace $0x90000050  }
0x3f: {  	s0 =	sadd.s32 @!p0 $0x100000, s0;
	[bflag:$0x2] =	sbarrier.arrive $0xFFFF  }
0x40: {  	[sflag:s0] =	ssyncadd.tile.s32 @!p0 $0x1;
	_ =	shalt  }
.Lfunc_end2:
_tile_overlayer_lowered:
.L_overlay_start_2:
0x41: {  	(tag) =	ssettag $0x2  }
0x42: {  	s0 =	rddreg [dreg:$0x0];
	s2 =	stileid.u32  }
0x43: {  	s1 =	rddreg [dreg:$0x1];
	p0 =	sne.s32 s2, $0x0  }
0x44: {  	s3 =	rddreg [dreg:$0x2];
	[bflag:$0x3] =	sbarrier.arrive $0xFFFF;
	s2 =	simm.s32 @!p0 $0x1C02  }
0x45: {  	[timem:s3], [sflag:s2] =	dma.local @!p0 [hbm:s0], s1  }
0x46: {  	s0 =	simm.s32 @!p0 $0x2  }
0x47: {  	_ =	swait.ge @!p0 [sflag:s0], s1  }
0x48: {  	s1 =	ssub.s32 @!p0 $0x0, s1;
	[sflag:s0] =	ssyncset.done @!p0 $0x0  }
0x49: {  	[sflag:s0] =	ssyncadd.s32 @!p0 s1  }
0x4a: {  	[bflag:$0x3] =	sbarrier.arrive $0xFFFF  }
0x4b: {  	_ =	shalt  }

</sc_bundles>
